<compile_context>
chip_gen: v7x
topology: tpu7x:2x2x1
jax: 0.10.2.dev20260603
libtpu: 0.0.44.dev20260713+nightly
codegen_flags: <defaults>
</compile_context>

<pallas_src>
import functools

import jax
import jax.numpy as jnp
from jax import lax
from jax.experimental import pallas as pl
from jax.experimental.pallas import tpu as pltpu
from jax.experimental.pallas import tpu_sc as plsc

NC = 2
NS = 16
NW = NC * NS
LANES = 16
CHUNK = 128
SCH = 8
STAGE = CHUNK * SCH
HALVES = 2


def _dense_body(x_ref, w_ref, b_ref, o_ref):
    o_ref[...] = (
        jnp.dot(x_ref[...], w_ref[...], preferred_element_type=jnp.float32)
        + b_ref[...]
    )


def _dense(x, w, b):
    ni, fin = x.shape
    cols = w.shape[1]
    bm = 1024
    return pl.pallas_call(
        _dense_body,
        grid=(ni // bm,),
        in_specs=[
            pl.BlockSpec((bm, fin), lambda i: (i, 0)),
            pl.BlockSpec((fin, cols), lambda i: (0, 0)),
            pl.BlockSpec((1, cols), lambda i: (0, 0)),
        ],
        out_specs=pl.BlockSpec((bm, cols), lambda i: (i, 0)),
        out_shape=jax.ShapeDtypeStruct((ni, cols), jnp.float32),
    )(x, w, b)


def _sc_body(nf, crd, idx, rs, out, sl_v, idx_st, crd_st, rows_v,
             acc_v, sem, *, seg_h, units, d):
    wid = lax.axis_index("s") * NC + lax.axis_index("c")
    ii = lax.iota(jnp.int32, LANES)
    zf = jnp.zeros((LANES,), jnp.float32)
    one = jnp.int32(1)
    m8 = jnp.int32(SCH - 1)

    def half_body(h, hcarry):
        s0 = pl.multiple_of((wid * HALVES + h) * seg_h, 8)
        pltpu.sync_copy(rs.at[pl.ds(s0, seg_h + LANES)], sl_v)
        e0 = sl_v[pl.ds(0, LANES)][0]
        e1 = sl_v[pl.ds(seg_h, LANES)][0]

        def zero_row(r, carry):
            for k in range(units // LANES):
                acc_v[r, pl.ds(k * LANES, LANES)] = zf
            return carry

        lax.fori_loop(0, seg_h, zero_row, 0)

        base0 = pl.multiple_of(jnp.bitwise_and(e0, jnp.int32(-8)), 8)
        nch = (e1 - base0 + jnp.int32(CHUNK - 1)) // jnp.int32(CHUNK)

        @pl.when(nch > 0)
        def _prologue():
            pltpu.sync_copy(idx.at[pl.ds(base0, STAGE)],
                            idx_st.at[pl.ds(0, STAGE)])
            pltpu.sync_copy(crd.at[pl.ds(pl.multiple_of(base0 * d, 8),
                                         STAGE * d)],
                            crd_st.at[pl.ds(0, STAGE * d)])
            pltpu.async_copy(nf.at[idx_st.at[pl.ds(0, CHUNK)]],
                             rows_v.at[pl.ds(0, CHUNK)], sem)

        def chunk_step(k, carry):
            par = jnp.bitwise_and(k, one)
            slot = jnp.bitwise_and(lax.shift_right_logical(k, 3), one)
            roff = pl.multiple_of(par * CHUNK, 8)
            ioff = pl.multiple_of(slot * STAGE
                                  + jnp.bitwise_and(k, m8) * CHUNK, 8)
            pltpu.make_async_copy(nf.at[idx_st.at[pl.ds(ioff, CHUNK)]],
                                  rows_v.at[pl.ds(roff, CHUNK)], sem).wait()

            k1 = k + one

            @pl.when(k1 < nch)
            def _prefetch():
                nslot = jnp.bitwise_and(lax.shift_right_logical(k1, 3), one)

                @pl.when(jnp.bitwise_and(k1, m8) == 0)
                def _stage():
                    sb = pl.multiple_of(base0 + k1 * CHUNK, 8)
                    pltpu.sync_copy(
                        idx.at[pl.ds(sb, STAGE)],
                        idx_st.at[pl.ds(pl.multiple_of(nslot * STAGE, 8),
                                        STAGE)])
                    pltpu.sync_copy(
                        crd.at[pl.ds(pl.multiple_of(sb * d, 8), STAGE * d)],
                        crd_st.at[pl.ds(
                            pl.multiple_of(nslot * STAGE * d, 8),
                            STAGE * d)])

                nioff = pl.multiple_of(nslot * STAGE
                                       + jnp.bitwise_and(k1, m8) * CHUNK, 8)
                nroff = pl.multiple_of(jnp.bitwise_and(k1, one) * CHUNK, 8)
                pltpu.async_copy(nf.at[idx_st.at[pl.ds(nioff, CHUNK)]],
                                 rows_v.at[pl.ds(nroff, CHUNK)], sem)

            cbase = slot * (STAGE * d)
            jin = jnp.bitwise_and(k, m8) * CHUNK
            ebase = base0 + jnp.bitwise_and(k, ~m8) * CHUNK

            @plsc.parallel_loop(0, CHUNK // LANES, step=1)
            def group_body(g):
                gb = g * LANES
                jst = jin + gb + ii
                evec = ebase + jst
                mask = (evec >= e0) & (evec < e1)
                lo = jnp.zeros((LANES,), jnp.int32)
                step = seg_h // 2
                while step >= 1:
                    vals = plsc.load_gather(sl_v, [lo + step])
                    lo = jnp.where(vals <= evec, lo + step, lo)
                    step //= 2
                jst3 = cbase + jst * d
                cvs = [plsc.load_gather(crd_st, [jst3 + dd])
                       for dd in range(d)]
                j16 = roff + gb + ii

                @plsc.parallel_loop(0, units, step=1, unroll=8)
                def ublk(u):
                    ucol = (jnp.bitwise_and(u, ~(LANES - 1))
                            + jnp.bitwise_and(ii + u, LANES - 1))
                    f = None
                    for dd in range(d):
                        v = plsc.load_gather(rows_v,
                                             [j16, ucol + dd * units])
                        fv = v * cvs[dd]
                        f = fv if f is None else f + fv
                    f = jnp.maximum(f, 0.0)
                    plsc.addupdate_scatter(acc_v, [lo, ucol], f,
                                           mask=mask)

            return carry

        lax.fori_loop(0, nch, chunk_step, 0)
        plsc.subcore_barrier()
        pltpu.sync_copy(acc_v, out.at[pl.ds(s0, seg_h)])
        return hcarry

    lax.fori_loop(0, HALVES, half_body, 0)


def kernel(node_features, coord_features, indices, row_splits, W, b):
    ni, fin = node_features.shape
    e, d = coord_features.shape
    no = row_splits.shape[0] - 1
    units = W.shape[1] // d
    seg_h = no // (NW * HALVES)
    pcols = 4 * units

    wp = (W.astype(jnp.float32)
          .reshape(fin, units, d).transpose(0, 2, 1).reshape(fin, units * d))
    wp = jnp.pad(wp, ((0, 0), (0, pcols - units * d)))
    bp = (b.astype(jnp.float32)
          .reshape(units, d).transpose(1, 0).reshape(1, units * d))
    bp = jnp.pad(bp, ((0, 0), (0, pcols - units * d)))
    nf = _dense(node_features.astype(jnp.float32), wp, bp)

    crd_flat = jnp.pad(coord_features.astype(jnp.float32),
                       ((0, STAGE), (0, 0))).reshape(-1)
    idx_pad = jnp.pad(indices.astype(jnp.int32), (0, STAGE))
    rs_pad = jnp.concatenate([
        row_splits.astype(jnp.int32),
        jnp.full((LANES - 1,), jnp.int32(e)),
    ])

    mesh = plsc.VectorSubcoreMesh(core_axis_name="c", subcore_axis_name="s")
    sck = pl.kernel(
        functools.partial(_sc_body, seg_h=seg_h, units=units, d=d),
        out_type=jax.ShapeDtypeStruct((no, units), jnp.float32),
        mesh=mesh,
        scratch_types=[
            pltpu.VMEM((seg_h + LANES,), jnp.int32),
            pltpu.VMEM((2 * STAGE,), jnp.int32),
            pltpu.VMEM((2 * STAGE * d,), jnp.float32),
            pltpu.VMEM((2 * CHUNK, pcols), jnp.float32),
            pltpu.VMEM((seg_h, units), jnp.float32),
            pltpu.SemaphoreType.DMA,
        ],
        compiler_params=pltpu.CompilerParams(needs_layout_passes=False,
                                             use_tc_tiling_on_sc=False),
    )
    return sck(nf, crd_flat, idx_pad, rs_pad)

# --- scband reference (transcript-rebuilt; emitter-appended) ---
"""Pipeline reference for scband-ragged-convolution-transpose-45612552683660 (READ-ONLY COPY).

The authoritative reference and input builder live on the scoring server;
editing this copy changes nothing except your own understanding.
"""

import jax, jax.numpy as jnp
import numpy as np

NI = 16384
NO = 32768
E = 262144
F_IN = 64
UNITS = 64
D = 3

def setup_inputs(seed: int = 0) -> dict:
    key = jax.random.key(seed)
    k1, k2, k3, k4, k5 = jax.random.split(key, 5)
    node_features = jax.random.normal(k1, (NI, F_IN), dtype=jnp.float32)
    coord_features = jax.random.normal(k2, (E, D), dtype=jnp.float32)
    indices = jax.random.randint(k3, (E,), 0, NI)
    inner = jnp.sort(jax.random.randint(k4, (NO - 1,), 0, E))
    row_splits = jnp.concatenate([jnp.zeros((1,), dtype=inner.dtype), inner, jnp.full((1,), E, dtype=inner.dtype)])
    W = jax.random.normal(k5, (F_IN, UNITS * D), dtype=jnp.float32) * (1.0 / np.sqrt(F_IN))
    b = jnp.zeros((UNITS * D,), dtype=jnp.float32)
    return {"node_features": node_features, "coord_features": coord_features, "indices": indices, "row_splits": row_splits, "W": W, "b": b}

def reference(node_features, coord_features, indices, row_splits, W, b):
    # Dense layer: units = self.units * coord_dims = 64*3 = 192
    nf = node_features @ W + b  # [Ni, UNITS*D]
    # transpose conv: gather after dense (gather_first=False)
    nf = jnp.take(nf, indices, axis=0)  # [E, UNITS*D]
    nf = nf.reshape(-1, UNITS, D)  # [E, UNITS, D]
    feats = jnp.sum(nf * coord_features[:, None, :], axis=-1)  # [E, UNITS]
    feats = jax.nn.relu(feats)
    # ragged reduce_sum over row_splits -> segment sum
    seg_ids = jnp.searchsorted(row_splits, jnp.arange(E), side='right') - 1
    out = jax.ops.segment_sum(feats, seg_ids, num_segments=NO)  # [No, UNITS]
    return out

if __name__ == "__main__":
    import jax
    _d = setup_inputs()
    print(jax.jit(kernel)(*tuple(_d.values())))

</pallas_src>

<mosaic_0001>
#map = affine_map<(d0, d1) -> (0, 0)>
#map1 = affine_map<(d0, d1) -> (0)>
module attributes {stable_mosaic.version = 14 : i64} {
  func.func @_sc_body(%arg0: i32, %arg1: i32, %arg2: memref<16384x256xf32, #tpu.memory_space<hbm>>, %arg3: memref<789504xf32, #tpu.memory_space<hbm>>, %arg4: memref<263168xi32, #tpu.memory_space<hbm>>, %arg5: memref<32784xi32, #tpu.memory_space<hbm>>, %arg6: memref<32768x64xf32, #tpu.memory_space<hbm>>, %arg7: memref<528xi32, #tpu.memory_space<vmem>>, %arg8: memref<2048xi32, #tpu.memory_space<vmem>>, %arg9: memref<6144xf32, #tpu.memory_space<vmem>>, %arg10: memref<256x256xf32, #tpu.memory_space<vmem>>, %arg11: memref<512x64xf32, #tpu.memory_space<vmem>>, %arg12: memref<!tpu.dma_semaphore, #tpu.memory_space<semaphore_mem>>) attributes {dimension_semantics = [#tpu.dimension_semantics<core_parallel>, #tpu.dimension_semantics<subcore_parallel>], iteration_bounds = array<i64: 2, 16>, scalar_prefetch = 0 : i64, scratch_operands = 6 : i64, tpu.core_type = #tpu.core_type<sc_vector_subcore>, window_params = [{transform_indices = #map}, {transform_indices = #map1}, {transform_indices = #map1}, {transform_indices = #map1}, {transform_indices = #map}]} {
    %mul3A = arith.constant 2 : i32
    %mul3A_0 = arith.muli %arg1, %mul3A : i32
    %add3A = arith.addi %mul3A_0, %arg0 : i32
    %iota3A = tpu.iota {dimensions = array<i32: 0>} : vector<16xi32>
    %broadcast_in_dim3A = arith.constant 0.000000e+00 : f32
    %broadcast_in_dim3A_1 = vector.broadcast %broadcast_in_dim3A : f32 to vector<16xf32>
    %scan3A = arith.constant 0 : i32
    %scan3A_2 = arith.constant 1 : i32
    %scan3A_3 = arith.constant 7 : i32
    %scan3A_4 = arith.constant 0 : i32
    %scan3A_5 = arith.constant 2 : i32
    %scan3A_6 = arith.addi %scan3A_4, %scan3A_5 : i32
    %scan3A_7 = arith.constant 1 : i32
    scf.for %scan3A_9 = %scan3A_4 to %scan3A_6 step %scan3A_7  : i32 {
      %mul3A_10 = arith.constant 2 : i32
      %mul3A_11 = arith.muli %add3A, %mul3A_10 : i32
      %add3A_12 = arith.addi %mul3A_11, %scan3A_9 : i32
      %mul3A_13 = arith.constant 512 : i32
      %mul3A_14 = arith.muli %add3A_12, %mul3A_13 : i32
      %multiple_of3A = tpu.assume_multiple %mul3A_14, 8 : i32
      "tpu.region"() ({
        %run_scoped3A = tpu.sem_alloc : memref<!tpu.dma_semaphore, #tpu.memory_space<semaphore_mem>>
        %dma_start3A = tpu.memref_slice %arg5[%multiple_of3A] : memref<32784xi32, #tpu.memory_space<hbm>> -> memref<528xi32, #tpu.memory_space<hbm>>
        %dma_start3A_59 = tpu.memref_slice %arg5[%multiple_of3A] : memref<32784xi32, #tpu.memory_space<hbm>> -> memref<528xi32, #tpu.memory_space<hbm>>
        tpu.enqueue_dma source(%dma_start3A_59 : memref<528xi32, #tpu.memory_space<hbm>>) target(%arg7 : memref<528xi32, #tpu.memory_space<vmem>>) target_semaphore(%run_scoped3A : memref<!tpu.dma_semaphore, #tpu.memory_space<semaphore_mem>>)
        %dma_wait3A = tpu.memref_slice %arg5[%multiple_of3A] : memref<32784xi32, #tpu.memory_space<hbm>> -> memref<528xi32, #tpu.memory_space<hbm>>
        %dma_wait3A_60 = tpu.memref_slice %arg5[%multiple_of3A] : memref<32784xi32, #tpu.memory_space<hbm>> -> memref<528xi32, #tpu.memory_space<hbm>>
        tpu.wait_dma2 semaphore(%run_scoped3A : memref<!tpu.dma_semaphore, #tpu.memory_space<semaphore_mem>>) src(%dma_wait3A_60 : memref<528xi32, #tpu.memory_space<hbm>>) dst(%arg7 : memref<528xi32, #tpu.memory_space<vmem>>)
        tpu.yield
      }) : () -> ()
      %get3A = arith.constant 0 : index
      %get3A_15 = tpu.vector_load %arg7[%get3A] {strides = array<i32>} : memref<528xi32, #tpu.memory_space<vmem>>, vector<16xi32>,
      %slice3A = vector.extract_strided_slice %get3A_15 {offsets = [0], sizes = [1], strides = [1]} : vector<16xi32> to vector<1xi32>
      %squeeze3A = vector.extract %slice3A[0] : i32 from vector<1xi32>
      %get3A_16 = arith.constant 512 : index
      %get3A_17 = tpu.vector_load %arg7[%get3A_16] {strides = array<i32>} : memref<528xi32, #tpu.memory_space<vmem>>, vector<16xi32>,
      %slice3A_18 = vector.extract_strided_slice %get3A_17 {offsets = [0], sizes = [1], strides = [1]} : vector<16xi32> to vector<1xi32>
      %squeeze3A_19 = vector.extract %slice3A_18[0] : i32 from vector<1xi32>
      %scan3A_20 = arith.constant 0 : i32
      %scan3A_21 = arith.constant 0 : i32
      %scan3A_22 = arith.constant 512 : i32
      %scan3A_23 = arith.addi %scan3A_21, %scan3A_22 : i32
      %scan3A_24 = arith.constant 1 : i32
      scf.for %scan3A_59 = %scan3A_21 to %scan3A_23 step %scan3A_24  : i32 {
        %swap3A = arith.index_cast %scan3A_59 : i32 to index
        %swap3A_60 = arith.constant 0 : index
        %swap3A_61 = tpu.vector_load %arg11[%swap3A, %swap3A_60] {strides = array<i32>} : memref<512x64xf32, #tpu.memory_space<vmem>>, vector<16xf32>,
        tpu.vector_store %arg11[%swap3A, %swap3A_60], %broadcast_in_dim3A_1 {strides = array<i32>} : memref<512x64xf32, #tpu.memory_space<vmem>>, vector<16xf32>,
        %swap3A_62 = arith.index_cast %scan3A_59 : i32 to index
        %swap3A_63 = arith.constant 16 : index
        %swap3A_64 = tpu.vector_load %arg11[%swap3A_62, %swap3A_63] {strides = array<i32>} : memref<512x64xf32, #tpu.memory_space<vmem>>, vector<16xf32>,
        tpu.vector_store %arg11[%swap3A_62, %swap3A_63], %broadcast_in_dim3A_1 {strides = array<i32>} : memref<512x64xf32, #tpu.memory_space<vmem>>, vector<16xf32>,
        %swap3A_65 = arith.index_cast %scan3A_59 : i32 to index
        %swap3A_66 = arith.constant 32 : index
        %swap3A_67 = tpu.vector_load %arg11[%swap3A_65, %swap3A_66] {strides = array<i32>} : memref<512x64xf32, #tpu.memory_space<vmem>>, vector<16xf32>,
        tpu.vector_store %arg11[%swap3A_65, %swap3A_66], %broadcast_in_dim3A_1 {strides = array<i32>} : memref<512x64xf32, #tpu.memory_space<vmem>>, vector<16xf32>,
        %swap3A_68 = arith.index_cast %scan3A_59 : i32 to index
        %swap3A_69 = arith.constant 48 : index
        %swap3A_70 = tpu.vector_load %arg11[%swap3A_68, %swap3A_69] {strides = array<i32>} : memref<512x64xf32, #tpu.memory_space<vmem>>, vector<16xf32>,
        tpu.vector_store %arg11[%swap3A_68, %swap3A_69], %broadcast_in_dim3A_1 {strides = array<i32>} : memref<512x64xf32, #tpu.memory_space<vmem>>, vector<16xf32>,
      }
      %scan3A_25 = arith.constant 512 : i32
      %and3A = arith.constant -8 : i32
      %and3A_26 = arith.andi %squeeze3A, %and3A : i32
      %multiple_of3A_27 = tpu.assume_multiple %and3A_26, 8 : i32
      %sub3A = arith.subi %squeeze3A_19, %multiple_of3A_27 : i32
      %add3A_28 = arith.constant 127 : i32
      %add3A_29 = arith.addi %sub3A, %add3A_28 : i32
      %jit3A = arith.constant 128 : i32
      %div3A = arith.divsi %add3A_29, %jit3A : i32
      %sign3A = arith.constant 0 : i32
      %sign3A_30 = arith.cmpi sgt, %add3A_29, %sign3A : i32
      %sign3A_31 = arith.extui %sign3A_30 : i1 to i32
      %sign3A_32 = arith.constant 0 : i32
      %sign3A_33 = arith.cmpi slt, %add3A_29, %sign3A_32 : i32
      %sign3A_34 = arith.extui %sign3A_33 : i1 to i32
      %sign3A_35 = arith.subi %sign3A_31, %sign3A_34 : i32
      %sign3A_36 = arith.constant 0 : i32
      %sign3A_37 = arith.cmpi sgt, %jit3A, %sign3A_36 : i32
      %sign3A_38 = arith.extui %sign3A_37 : i1 to i32
      %sign3A_39 = arith.constant 0 : i32
      %sign3A_40 = arith.cmpi slt, %jit3A, %sign3A_39 : i32
      %sign3A_41 = arith.extui %sign3A_40 : i1 to i32
      %sign3A_42 = arith.subi %sign3A_38, %sign3A_41 : i32
      %ne3A = arith.cmpi ne, %sign3A_35, %sign3A_42 : i32
      %rem3A = arith.remsi %add3A_29, %jit3A : i32
      %ne3A_43 = arith.constant 0 : i32
      %ne3A_44 = arith.cmpi ne, %rem3A, %ne3A_43 : i32
      %and3A_45 = arith.andi %ne3A, %ne3A_44 : i1
      %sub3A_46 = arith.constant 1 : i32
      %sub3A_47 = arith.subi %div3A, %sub3A_46 : i32
      %select_n3A = arith.select %and3A_45, %sub3A_47, %div3A : i32
      %gt3A = arith.constant 0 : i32
      %gt3A_48 = arith.cmpi sgt, %select_n3A, %gt3A : i32
      %convert_element_type3A = arith.extui %gt3A_48 : i1 to i32
      %cond3A = arith.constant 0 : i32
      %cond3A_49 = arith.cmpi ne, %convert_element_type3A, %cond3A : i32
      scf.if %cond3A_49 {
        "tpu.region"() ({
          %run_scoped3A = tpu.sem_alloc : memref<!tpu.dma_semaphore, #tpu.memory_space<semaphore_mem>>
          %dma_start3A_69 = arith.constant 0 : i32
          %dma_start3A_70 = tpu.memref_slice %arg8[%dma_start3A_69] : memref<2048xi32, #tpu.memory_space<vmem>> -> memref<1024xi32, #tpu.memory_space<vmem>>
          %dma_start3A_71 = tpu.memref_slice %arg4[%multiple_of3A_27] : memref<263168xi32, #tpu.memory_space<hbm>> -> memref<1024xi32, #tpu.memory_space<hbm>>
          %dma_start3A_72 = arith.constant 0 : i32
          %dma_start3A_73 = tpu.memref_slice %arg8[%dma_start3A_72] : memref<2048xi32, #tpu.memory_space<vmem>> -> memref<1024xi32, #tpu.memory_space<vmem>>
          %dma_start3A_74 = tpu.memref_slice %arg4[%multiple_of3A_27] : memref<263168xi32, #tpu.memory_space<hbm>> -> memref<1024xi32, #tpu.memory_space<hbm>>
          tpu.enqueue_dma source(%dma_start3A_74 : memref<1024xi32, #tpu.memory_space<hbm>>) target(%dma_start3A_73 : memref<1024xi32, #tpu.memory_space<vmem>>) target_semaphore(%run_scoped3A : memref<!tpu.dma_semaphore, #tpu.memory_space<semaphore_mem>>)
          %dma_wait3A = arith.constant 0 : i32
          %dma_wait3A_75 = tpu.memref_slice %arg8[%dma_wait3A] : memref<2048xi32, #tpu.memory_space<vmem>> -> memref<1024xi32, #tpu.memory_space<vmem>>
          %dma_wait3A_76 = tpu.memref_slice %arg4[%multiple_of3A_27] : memref<263168xi32, #tpu.memory_space<hbm>> -> memref<1024xi32, #tpu.memory_space<hbm>>
          %dma_wait3A_77 = arith.constant 0 : i32
          %dma_wait3A_78 = tpu.memref_slice %arg8[%dma_wait3A_77] : memref<2048xi32, #tpu.memory_space<vmem>> -> memref<1024xi32, #tpu.memory_space<vmem>>
          %dma_wait3A_79 = tpu.memref_slice %arg4[%multiple_of3A_27] : memref<263168xi32, #tpu.memory_space<hbm>> -> memref<1024xi32, #tpu.memory_space<hbm>>
          tpu.wait_dma2 semaphore(%run_scoped3A : memref<!tpu.dma_semaphore, #tpu.memory_space<semaphore_mem>>) src(%dma_wait3A_79 : memref<1024xi32, #tpu.memory_space<hbm>>) dst(%dma_wait3A_78 : memref<1024xi32, #tpu.memory_space<vmem>>)
          tpu.yield
        }) : () -> ()
        %mul3A_59 = arith.constant 3 : i32
        %mul3A_60 = arith.muli %multiple_of3A_27, %mul3A_59 : i32
        %multiple_of3A_61 = tpu.assume_multiple %mul3A_60, 8 : i32
        "tpu.region"() ({
          %run_scoped3A = tpu.sem_alloc : memref<!tpu.dma_semaphore, #tpu.memory_space<semaphore_mem>>
          %dma_start3A_69 = arith.constant 0 : i32
          %dma_start3A_70 = tpu.memref_slice %arg9[%dma_start3A_69] : memref<6144xf32, #tpu.memory_space<vmem>> -> memref<3072xf32, #tpu.memory_space<vmem>>
          %dma_start3A_71 = tpu.memref_slice %arg3[%multiple_of3A_61] : memref<789504xf32, #tpu.memory_space<hbm>> -> memref<3072xf32, #tpu.memory_space<hbm>>
          %dma_start3A_72 = arith.constant 0 : i32
          %dma_start3A_73 = tpu.memref_slice %arg9[%dma_start3A_72] : memref<6144xf32, #tpu.memory_space<vmem>> -> memref<3072xf32, #tpu.memory_space<vmem>>
          %dma_start3A_74 = tpu.memref_slice %arg3[%multiple_of3A_61] : memref<789504xf32, #tpu.memory_space<hbm>> -> memref<3072xf32, #tpu.memory_space<hbm>>
          tpu.enqueue_dma source(%dma_start3A_74 : memref<3072xf32, #tpu.memory_space<hbm>>) target(%dma_start3A_73 : memref<3072xf32, #tpu.memory_space<vmem>>) target_semaphore(%run_scoped3A : memref<!tpu.dma_semaphore, #tpu.memory_space<semaphore_mem>>)
          %dma_wait3A = arith.constant 0 : i32
          %dma_wait3A_75 = tpu.memref_slice %arg9[%dma_wait3A] : memref<6144xf32, #tpu.memory_space<vmem>> -> memref<3072xf32, #tpu.memory_space<vmem>>
          %dma_wait3A_76 = tpu.memref_slice %arg3[%multiple_of3A_61] : memref<789504xf32, #tpu.memory_space<hbm>> -> memref<3072xf32, #tpu.memory_space<hbm>>
          %dma_wait3A_77 = arith.constant 0 : i32
          %dma_wait3A_78 = tpu.memref_slice %arg9[%dma_wait3A_77] : memref<6144xf32, #tpu.memory_space<vmem>> -> memref<3072xf32, #tpu.memory_space<vmem>>
          %dma_wait3A_79 = tpu.memref_slice %arg3[%multiple_of3A_61] : memref<789504xf32, #tpu.memory_space<hbm>> -> memref<3072xf32, #tpu.memory_space<hbm>>
          tpu.wait_dma2 semaphore(%run_scoped3A : memref<!tpu.dma_semaphore, #tpu.memory_space<semaphore_mem>>) src(%dma_wait3A_79 : memref<3072xf32, #tpu.memory_space<hbm>>) dst(%dma_wait3A_78 : memref<3072xf32, #tpu.memory_space<vmem>>)
          tpu.yield
        }) : () -> ()
        %dma_start3A = arith.constant 0 : i32
        %dma_start3A_62 = arith.constant 0 : i32
        %dma_start3A_63 = tpu.memref_slice %arg10[%dma_start3A, %dma_start3A_62] : memref<256x256xf32, #tpu.memory_space<vmem>> -> memref<128x256xf32, #tpu.memory_space<vmem>>
        %dma_start3A_64 = arith.constant 0 : i32
        %dma_start3A_65 = tpu.memref_slice %arg8[%dma_start3A_64] : memref<2048xi32, #tpu.memory_space<vmem>> -> memref<128xi32, #tpu.memory_space<vmem>>
        %dma_start3A_66 = arith.constant 0 : i32
        %dma_start3A_67 = arith.constant 0 : i32
        %dma_start3A_68 = tpu.memref_slice %arg2[%dma_start3A_66, %dma_start3A_67] : memref<16384x256xf32, #tpu.memory_space<hbm>> -> memref<16384x256xf32, #tpu.memory_space<hbm>>
        tpu.enqueue_indirect_dma source(%dma_start3A_68 : memref<16384x256xf32, #tpu.memory_space<hbm>>) target(%dma_start3A_63 : memref<128x256xf32, #tpu.memory_space<vmem>>) offsets(%dma_start3A_65 : memref<128xi32, #tpu.memory_space<vmem>>) semaphore(%arg12 : memref<!tpu.dma_semaphore, #tpu.memory_space<semaphore_mem>>)
      } else {
      }
      %while3A = arith.constant 0 : i32
      %while3A_50 = arith.constant 0 : i32
      %while3A_51 = arith.subi %select_n3A, %while3A_50 : i32
      %while3A_52 = arith.addi %while3A_50, %while3A_51 : i32
      %while3A_53 = arith.constant 1 : i32
      %while3A_54 = arith.divsi %while3A_51, %while3A_53 : i32
      %while3A_55 = arith.muli %while3A_54, %while3A_53 : i32
      %while3A_56 = arith.addi %while3A_50, %while3A_55 : i32
      %while3A_57 = arith.constant 1 : i32
      scf.for %while3A_59 = %while3A_50 to %while3A_56 step %while3A_57  : i32 {
        %and3A_60 = arith.andi %while3A_59, %scan3A_2 : i32
        %shift_right_logical3A = arith.constant 3 : i32
        %shift_right_logical3A_61 = arith.shrui %while3A_59, %shift_right_logical3A : i32
        %and3A_62 = arith.andi %shift_right_logical3A_61, %scan3A_2 : i32
        %mul3A_63 = arith.constant 128 : i32
        %mul3A_64 = arith.muli %and3A_60, %mul3A_63 : i32
        %multiple_of3A_65 = tpu.assume_multiple %mul3A_64, 8 : i32
        %mul3A_66 = arith.constant 1024 : i32
        %mul3A_67 = arith.muli %and3A_62, %mul3A_66 : i32
        %and3A_68 = arith.andi %while3A_59, %scan3A_3 : i32
        %mul3A_69 = arith.constant 128 : i32
        %mul3A_70 = arith.muli %and3A_68, %mul3A_69 : i32
        %add3A_71 = arith.addi %mul3A_67, %mul3A_70 : i32
        %multiple_of3A_72 = tpu.assume_multiple %add3A_71, 8 : i32
        %dma_wait3A = arith.constant 0 : i32
        %dma_wait3A_73 = tpu.memref_slice %arg10[%multiple_of3A_65, %dma_wait3A] : memref<256x256xf32, #tpu.memory_space<vmem>> -> memref<128x256xf32, #tpu.memory_space<vmem>>
        %dma_wait3A_74 = tpu.memref_slice %arg8[%multiple_of3A_72] : memref<2048xi32, #tpu.memory_space<vmem>> -> memref<128xi32, #tpu.memory_space<vmem>>
        %dma_wait3A_75 = arith.constant 0 : i32
        %dma_wait3A_76 = arith.constant 0 : i32
        %dma_wait3A_77 = tpu.memref_slice %arg2[%dma_wait3A_75, %dma_wait3A_76] : memref<16384x256xf32, #tpu.memory_space<hbm>> -> memref<16384x256xf32, #tpu.memory_space<hbm>>
        tpu.wait_indirect_dma semaphore(%arg12 : memref<!tpu.dma_semaphore, #tpu.memory_space<semaphore_mem>>) src(%dma_wait3A_77 : memref<16384x256xf32, #tpu.memory_space<hbm>>) dst(%dma_wait3A_73 : memref<128x256xf32, #tpu.memory_space<vmem>>)
        %add3A_78 = arith.addi %while3A_59, %scan3A_2 : i32
        %lt3A = arith.cmpi slt, %add3A_78, %select_n3A : i32
        %convert_element_type3A_79 = arith.extui %lt3A : i1 to i32
        %cond3A_80 = arith.constant 0 : i32
        %cond3A_81 = arith.cmpi ne, %convert_element_type3A_79, %cond3A_80 : i32
        scf.if %cond3A_81 {
          %shift_right_logical3A_94 = arith.constant 3 : i32
          %shift_right_logical3A_95 = arith.shrui %add3A_78, %shift_right_logical3A_94 : i32
          %and3A_96 = arith.andi %shift_right_logical3A_95, %scan3A_2 : i32
          %and3A_97 = arith.andi %add3A_78, %scan3A_3 : i32
          %eq3A = arith.constant 0 : i32
          %eq3A_98 = arith.cmpi eq, %and3A_97, %eq3A : i32
          %convert_element_type3A_99 = arith.extui %eq3A_98 : i1 to i32
          %cond3A_100 = arith.constant 0 : i32
          %cond3A_101 = arith.cmpi ne, %convert_element_type3A_99, %cond3A_100 : i32
          scf.if %cond3A_101 {
            %mul3A_118 = arith.constant 128 : i32
            %mul3A_119 = arith.muli %add3A_78, %mul3A_118 : i32
            %add3A_120 = arith.addi %multiple_of3A_27, %mul3A_119 : i32
            %multiple_of3A_121 = tpu.assume_multiple %add3A_120, 8 : i32
            %mul3A_122 = arith.constant 1024 : i32
            %mul3A_123 = arith.muli %and3A_96, %mul3A_122 : i32
            %multiple_of3A_124 = tpu.assume_multiple %mul3A_123, 8 : i32
            "tpu.region"() ({
              %run_scoped3A = tpu.sem_alloc : memref<!tpu.dma_semaphore, #tpu.memory_space<semaphore_mem>>
              %dma_start3A_133 = tpu.memref_slice %arg8[%multiple_of3A_124] : memref<2048xi32, #tpu.memory_space<vmem>> -> memref<1024xi32, #tpu.memory_space<vmem>>
              %dma_start3A_134 = tpu.memref_slice %arg4[%multiple_of3A_121] : memref<263168xi32, #tpu.memory_space<hbm>> -> memref<1024xi32, #tpu.memory_space<hbm>>
              %dma_start3A_135 = tpu.memref_slice %arg8[%multiple_of3A_124] : memref<2048xi32, #tpu.memory_space<vmem>> -> memref<1024xi32, #tpu.memory_space<vmem>>
              %dma_start3A_136 = tpu.memref_slice %arg4[%multiple_of3A_121] : memref<263168xi32, #tpu.memory_space<hbm>> -> memref<1024xi32, #tpu.memory_space<hbm>>
              tpu.enqueue_dma source(%dma_start3A_136 : memref<1024xi32, #tpu.memory_space<hbm>>) target(%dma_start3A_135 : memref<1024xi32, #tpu.memory_space<vmem>>) target_semaphore(%run_scoped3A : memref<!tpu.dma_semaphore, #tpu.memory_space<semaphore_mem>>)
              %dma_wait3A_137 = tpu.memref_slice %arg8[%multiple_of3A_124] : memref<2048xi32, #tpu.memory_space<vmem>> -> memref<1024xi32, #tpu.memory_space<vmem>>
              %dma_wait3A_138 = tpu.memref_slice %arg4[%multiple_of3A_121] : memref<263168xi32, #tpu.memory_space<hbm>> -> memref<1024xi32, #tpu.memory_space<hbm>>
              %dma_wait3A_139 = tpu.memref_slice %arg8[%multiple_of3A_124] : memref<2048xi32, #tpu.memory_space<vmem>> -> memref<1024xi32, #tpu.memory_space<vmem>>
              %dma_wait3A_140 = tpu.memref_slice %arg4[%multiple_of3A_121] : memref<263168xi32, #tpu.memory_space<hbm>> -> memref<1024xi32, #tpu.memory_space<hbm>>
              tpu.wait_dma2 semaphore(%run_scoped3A : memref<!tpu.dma_semaphore, #tpu.memory_space<semaphore_mem>>) src(%dma_wait3A_140 : memref<1024xi32, #tpu.memory_space<hbm>>) dst(%dma_wait3A_139 : memref<1024xi32, #tpu.memory_space<vmem>>)
              tpu.yield
            }) : () -> ()
            %mul3A_125 = arith.constant 3 : i32
            %mul3A_126 = arith.muli %multiple_of3A_121, %mul3A_125 : i32
            %multiple_of3A_127 = tpu.assume_multiple %mul3A_126, 8 : i32
            %mul3A_128 = arith.constant 1024 : i32
            %mul3A_129 = arith.muli %and3A_96, %mul3A_128 : i32
            %mul3A_130 = arith.constant 3 : i32
            %mul3A_131 = arith.muli %mul3A_129, %mul3A_130 : i32
            %multiple_of3A_132 = tpu.assume_multiple %mul3A_131, 8 : i32
            "tpu.region"() ({
              %run_scoped3A = tpu.sem_alloc : memref<!tpu.dma_semaphore, #tpu.memory_space<semaphore_mem>>
              %dma_start3A_133 = tpu.memref_slice %arg9[%multiple_of3A_132] : memref<6144xf32, #tpu.memory_space<vmem>> -> memref<3072xf32, #tpu.memory_space<vmem>>
              %dma_start3A_134 = tpu.memref_slice %arg3[%multiple_of3A_127] : memref<789504xf32, #tpu.memory_space<hbm>> -> memref<3072xf32, #tpu.memory_space<hbm>>
              %dma_start3A_135 = tpu.memref_slice %arg9[%multiple_of3A_132] : memref<6144xf32, #tpu.memory_space<vmem>> -> memref<3072xf32, #tpu.memory_space<vmem>>
              %dma_start3A_136 = tpu.memref_slice %arg3[%multiple_of3A_127] : memref<789504xf32, #tpu.memory_space<hbm>> -> memref<3072xf32, #tpu.memory_space<hbm>>
              tpu.enqueue_dma source(%dma_start3A_136 : memref<3072xf32, #tpu.memory_space<hbm>>) target(%dma_start3A_135 : memref<3072xf32, #tpu.memory_space<vmem>>) target_semaphore(%run_scoped3A : memref<!tpu.dma_semaphore, #tpu.memory_space<semaphore_mem>>)
              %dma_wait3A_137 = tpu.memref_slice %arg9[%multiple_of3A_132] : memref<6144xf32, #tpu.memory_space<vmem>> -> memref<3072xf32, #tpu.memory_space<vmem>>
              %dma_wait3A_138 = tpu.memref_slice %arg3[%multiple_of3A_127] : memref<789504xf32, #tpu.memory_space<hbm>> -> memref<3072xf32, #tpu.memory_space<hbm>>
              %dma_wait3A_139 = tpu.memref_slice %arg9[%multiple_of3A_132] : memref<6144xf32, #tpu.memory_space<vmem>> -> memref<3072xf32, #tpu.memory_space<vmem>>
              %dma_wait3A_140 = tpu.memref_slice %arg3[%multiple_of3A_127] : memref<789504xf32, #tpu.memory_space<hbm>> -> memref<3072xf32, #tpu.memory_space<hbm>>
              tpu.wait_dma2 semaphore(%run_scoped3A : memref<!tpu.dma_semaphore, #tpu.memory_space<semaphore_mem>>) src(%dma_wait3A_140 : memref<3072xf32, #tpu.memory_space<hbm>>) dst(%dma_wait3A_139 : memref<3072xf32, #tpu.memory_space<vmem>>)
              tpu.yield
            }) : () -> ()
          } else {
          }
          %mul3A_102 = arith.constant 1024 : i32
          %mul3A_103 = arith.muli %and3A_96, %mul3A_102 : i32
          %and3A_104 = arith.andi %add3A_78, %scan3A_3 : i32
          %mul3A_105 = arith.constant 128 : i32
          %mul3A_106 = arith.muli %and3A_104, %mul3A_105 : i32
          %add3A_107 = arith.addi %mul3A_103, %mul3A_106 : i32
          %multiple_of3A_108 = tpu.assume_multiple %add3A_107, 8 : i32
          %and3A_109 = arith.andi %add3A_78, %scan3A_2 : i32
          %mul3A_110 = arith.constant 128 : i32
          %mul3A_111 = arith.muli %and3A_109, %mul3A_110 : i32
          %multiple_of3A_112 = tpu.assume_multiple %mul3A_111, 8 : i32
          %dma_start3A = arith.constant 0 : i32
          %dma_start3A_113 = tpu.memref_slice %arg10[%multiple_of3A_112, %dma_start3A] : memref<256x256xf32, #tpu.memory_space<vmem>> -> memref<128x256xf32, #tpu.memory_space<vmem>>
          %dma_start3A_114 = tpu.memref_slice %arg8[%multiple_of3A_108] : memref<2048xi32, #tpu.memory_space<vmem>> -> memref<128xi32, #tpu.memory_space<vmem>>
          %dma_start3A_115 = arith.constant 0 : i32
          %dma_start3A_116 = arith.constant 0 : i32
          %dma_start3A_117 = tpu.memref_slice %arg2[%dma_start3A_115, %dma_start3A_116] : memref<16384x256xf32, #tpu.memory_space<hbm>> -> memref<16384x256xf32, #tpu.memory_space<hbm>>
          tpu.enqueue_indirect_dma source(%dma_start3A_117 : memref<16384x256xf32, #tpu.memory_space<hbm>>) target(%dma_start3A_113 : memref<128x256xf32, #tpu.memory_space<vmem>>) offsets(%dma_start3A_114 : memref<128xi32, #tpu.memory_space<vmem>>) semaphore(%arg12 : memref<!tpu.dma_semaphore, #tpu.memory_space<semaphore_mem>>)
        } else {
        }
        %mul3A_82 = arith.constant 3072 : i32
        %mul3A_83 = arith.muli %and3A_62, %mul3A_82 : i32
        %and3A_84 = arith.andi %while3A_59, %scan3A_3 : i32
        %mul3A_85 = arith.constant 128 : i32
        %mul3A_86 = arith.muli %and3A_84, %mul3A_85 : i32
        %not3A = arith.constant -1 : i32
        %not3A_87 = arith.xori %scan3A_3, %not3A : i32
        %and3A_88 = arith.andi %while3A_59, %not3A_87 : i32
        %mul3A_89 = arith.constant 128 : i32
        %mul3A_90 = arith.muli %and3A_88, %mul3A_89 : i32
        %add3A_91 = arith.addi %multiple_of3A_27, %mul3A_90 : i32
        %parallel_loop3A = arith.constant 0 : i32
        %parallel_loop3A_92 = arith.constant 8 : i32
        %parallel_loop3A_93 = arith.constant 1 : i32
        scf.for %parallel_loop3A_94 = %parallel_loop3A to %parallel_loop3A_92 step %parallel_loop3A_93  : i32 {
          %parallel_loop3A_95 = arith.constant 16 : i32
          %parallel_loop3A_96 = arith.muli %parallel_loop3A_94, %parallel_loop3A_95 : i32
          %parallel_loop3A_97 = arith.addi %mul3A_86, %parallel_loop3A_96 : i32
          %parallel_loop3A_98 = vector.broadcast %parallel_loop3A_97 : i32 to vector<16xi32>
          %parallel_loop3A_99 = arith.addi %parallel_loop3A_98, %iota3A : vector<16xi32>
          %parallel_loop3A_100 = vector.broadcast %add3A_91 : i32 to vector<16xi32>
          %parallel_loop3A_101 = arith.addi %parallel_loop3A_100, %parallel_loop3A_99 : vector<16xi32>
          %parallel_loop3A_102 = vector.broadcast %squeeze3A : i32 to vector<16xi32>
          %parallel_loop3A_103 = arith.cmpi sge, %parallel_loop3A_101, %parallel_loop3A_102 : vector<16xi32>
          %parallel_loop3A_104 = vector.broadcast %squeeze3A_19 : i32 to vector<16xi32>
          %parallel_loop3A_105 = arith.cmpi slt, %parallel_loop3A_101, %parallel_loop3A_104 : vector<16xi32>
          %parallel_loop3A_106 = arith.andi %parallel_loop3A_103, %parallel_loop3A_105 : vector<16xi1>
          %parallel_loop3A_107 = arith.constant 0 : i32
          %parallel_loop3A_108 = vector.broadcast %parallel_loop3A_107 : i32 to vector<16xi32>
          %parallel_loop3A_109 = arith.constant 256 : i32
          %parallel_loop3A_110 = vector.broadcast %parallel_loop3A_109 : i32 to vector<16xi32>
          %parallel_loop3A_111 = arith.addi %parallel_loop3A_108, %parallel_loop3A_110 : vector<16xi32>
          %parallel_loop3A_112 = tpu.vector_load_idx %arg7[%parallel_loop3A_111] : memref<528xi32, #tpu.memory_space<vmem>>[vector<16xi32>], vector<16xi32>,
          %parallel_loop3A_113 = arith.cmpi sle, %parallel_loop3A_112, %parallel_loop3A_101 : vector<16xi32>
          %parallel_loop3A_114 = arith.constant 256 : i32
          %parallel_loop3A_115 = vector.broadcast %parallel_loop3A_114 : i32 to vector<16xi32>
          %parallel_loop3A_116 = arith.addi %parallel_loop3A_108, %parallel_loop3A_115 : vector<16xi32>
          %parallel_loop3A_117 = arith.select %parallel_loop3A_113, %parallel_loop3A_116, %parallel_loop3A_108 : vector<16xi1>, vector<16xi32>
          %parallel_loop3A_118 = arith.constant 128 : i32
          %parallel_loop3A_119 = vector.broadcast %parallel_loop3A_118 : i32 to vector<16xi32>
          %parallel_loop3A_120 = arith.addi %parallel_loop3A_117, %parallel_loop3A_119 : vector<16xi32>
          %parallel_loop3A_121 = tpu.vector_load_idx %arg7[%parallel_loop3A_120] : memref<528xi32, #tpu.memory_space<vmem>>[vector<16xi32>], vector<16xi32>,
          %parallel_loop3A_122 = arith.cmpi sle, %parallel_loop3A_121, %parallel_loop3A_101 : vector<16xi32>
          %parallel_loop3A_123 = arith.constant 128 : i32
          %parallel_loop3A_124 = vector.broadcast %parallel_loop3A_123 : i32 to vector<16xi32>
          %parallel_loop3A_125 = arith.addi %parallel_loop3A_117, %parallel_loop3A_124 : vector<16xi32>
          %parallel_loop3A_126 = arith.select %parallel_loop3A_122, %parallel_loop3A_125, %parallel_loop3A_117 : vector<16xi1>, vector<16xi32>
          %parallel_loop3A_127 = arith.constant 64 : i32
          %parallel_loop3A_128 = vector.broadcast %parallel_loop3A_127 : i32 to vector<16xi32>
          %parallel_loop3A_129 = arith.addi %parallel_loop3A_126, %parallel_loop3A_128 : vector<16xi32>
          %parallel_loop3A_130 = tpu.vector_load_idx %arg7[%parallel_loop3A_129] : memref<528xi32, #tpu.memory_space<vmem>>[vector<16xi32>], vector<16xi32>,
          %parallel_loop3A_131 = arith.cmpi sle, %parallel_loop3A_130, %parallel_loop3A_101 : vector<16xi32>
          %parallel_loop3A_132 = arith.constant 64 : i32
          %parallel_loop3A_133 = vector.broadcast %parallel_loop3A_132 : i32 to vector<16xi32>
          %parallel_loop3A_134 = arith.addi %parallel_loop3A_126, %parallel_loop3A_133 : vector<16xi32>
          %parallel_loop3A_135 = arith.select %parallel_loop3A_131, %parallel_loop3A_134, %parallel_loop3A_126 : vector<16xi1>, vector<16xi32>
          %parallel_loop3A_136 = arith.constant 32 : i32
          %parallel_loop3A_137 = vector.broadcast %parallel_loop3A_136 : i32 to vector<16xi32>
          %parallel_loop3A_138 = arith.addi %parallel_loop3A_135, %parallel_loop3A_137 : vector<16xi32>
          %parallel_loop3A_139 = tpu.vector_load_idx %arg7[%parallel_loop3A_138] : memref<528xi32, #tpu.memory_space<vmem>>[vector<16xi32>], vector<16xi32>,
          %parallel_loop3A_140 = arith.cmpi sle, %parallel_loop3A_139, %parallel_loop3A_101 : vector<16xi32>
          %parallel_loop3A_141 = arith.constant 32 : i32
          %parallel_loop3A_142 = vector.broadcast %parallel_loop3A_141 : i32 to vector<16xi32>
          %parallel_loop3A_143 = arith.addi %parallel_loop3A_135, %parallel_loop3A_142 : vector<16xi32>
          %parallel_loop3A_144 = arith.select %parallel_loop3A_140, %parallel_loop3A_143, %parallel_loop3A_135 : vector<16xi1>, vector<16xi32>
          %parallel_loop3A_145 = arith.constant 16 : i32
          %parallel_loop3A_146 = vector.broadcast %parallel_loop3A_145 : i32 to vector<16xi32>
          %parallel_loop3A_147 = arith.addi %parallel_loop3A_144, %parallel_loop3A_146 : vector<16xi32>
          %parallel_loop3A_148 = tpu.vector_load_idx %arg7[%parallel_loop3A_147] : memref<528xi32, #tpu.memory_space<vmem>>[vector<16xi32>], vector<16xi32>,
          %parallel_loop3A_149 = arith.cmpi sle, %parallel_loop3A_148, %parallel_loop3A_101 : vector<16xi32>
          %parallel_loop3A_150 = arith.constant 16 : i32
          %parallel_loop3A_151 = vector.broadcast %parallel_loop3A_150 : i32 to vector<16xi32>
          %parallel_loop3A_152 = arith.addi %parallel_loop3A_144, %parallel_loop3A_151 : vector<16xi32>
          %parallel_loop3A_153 = arith.select %parallel_loop3A_149, %parallel_loop3A_152, %parallel_loop3A_144 : vector<16xi1>, vector<16xi32>
          %parallel_loop3A_154 = arith.constant 8 : i32
          %parallel_loop3A_155 = vector.broadcast %parallel_loop3A_154 : i32 to vector<16xi32>
          %parallel_loop3A_156 = arith.addi %parallel_loop3A_153, %parallel_loop3A_155 : vector<16xi32>
          %parallel_loop3A_157 = tpu.vector_load_idx %arg7[%parallel_loop3A_156] : memref<528xi32, #tpu.memory_space<vmem>>[vector<16xi32>], vector<16xi32>,
          %parallel_loop3A_158 = arith.cmpi sle, %parallel_loop3A_157, %parallel_loop3A_101 : vector<16xi32>
          %parallel_loop3A_159 = arith.constant 8 : i32
          %parallel_loop3A_160 = vector.broadcast %parallel_loop3A_159 : i32 to vector<16xi32>
          %parallel_loop3A_161 = arith.addi %parallel_loop3A_153, %parallel_loop3A_160 : vector<16xi32>
          %parallel_loop3A_162 = arith.select %parallel_loop3A_158, %parallel_loop3A_161, %parallel_loop3A_153 : vector<16xi1>, vector<16xi32>
          %parallel_loop3A_163 = arith.constant 4 : i32
          %parallel_loop3A_164 = vector.broadcast %parallel_loop3A_163 : i32 to vector<16xi32>
          %parallel_loop3A_165 = arith.addi %parallel_loop3A_162, %parallel_loop3A_164 : vector<16xi32>
          %parallel_loop3A_166 = tpu.vector_load_idx %arg7[%parallel_loop3A_165] : memref<528xi32, #tpu.memory_space<vmem>>[vector<16xi32>], vector<16xi32>,
          %parallel_loop3A_167 = arith.cmpi sle, %parallel_loop3A_166, %parallel_loop3A_101 : vector<16xi32>
          %parallel_loop3A_168 = arith.constant 4 : i32
          %parallel_loop3A_169 = vector.broadcast %parallel_loop3A_168 : i32 to vector<16xi32>
          %parallel_loop3A_170 = arith.addi %parallel_loop3A_162, %parallel_loop3A_169 : vector<16xi32>
          %parallel_loop3A_171 = arith.select %parallel_loop3A_167, %parallel_loop3A_170, %parallel_loop3A_162 : vector<16xi1>, vector<16xi32>
          %parallel_loop3A_172 = arith.constant 2 : i32
          %parallel_loop3A_173 = vector.broadcast %parallel_loop3A_172 : i32 to vector<16xi32>
          %parallel_loop3A_174 = arith.addi %parallel_loop3A_171, %parallel_loop3A_173 : vector<16xi32>
          %parallel_loop3A_175 = tpu.vector_load_idx %arg7[%parallel_loop3A_174] : memref<528xi32, #tpu.memory_space<vmem>>[vector<16xi32>], vector<16xi32>,
          %parallel_loop3A_176 = arith.cmpi sle, %parallel_loop3A_175, %parallel_loop3A_101 : vector<16xi32>
          %parallel_loop3A_177 = arith.constant 2 : i32
          %parallel_loop3A_178 = vector.broadcast %parallel_loop3A_177 : i32 to vector<16xi32>
          %parallel_loop3A_179 = arith.addi %parallel_loop3A_171, %parallel_loop3A_178 : vector<16xi32>
          %parallel_loop3A_180 = arith.select %parallel_loop3A_176, %parallel_loop3A_179, %parallel_loop3A_171 : vector<16xi1>, vector<16xi32>
          %parallel_loop3A_181 = arith.constant 1 : i32
          %parallel_loop3A_182 = vector.broadcast %parallel_loop3A_181 : i32 to vector<16xi32>
          %parallel_loop3A_183 = arith.addi %parallel_loop3A_180, %parallel_loop3A_182 : vector<16xi32>
          %parallel_loop3A_184 = tpu.vector_load_idx %arg7[%parallel_loop3A_183] : memref<528xi32, #tpu.memory_space<vmem>>[vector<16xi32>], vector<16xi32>,
          %parallel_loop3A_185 = arith.cmpi sle, %parallel_loop3A_184, %parallel_loop3A_101 : vector<16xi32>
          %parallel_loop3A_186 = arith.constant 1 : i32
          %parallel_loop3A_187 = vector.broadcast %parallel_loop3A_186 : i32 to vector<16xi32>
          %parallel_loop3A_188 = arith.addi %parallel_loop3A_180, %parallel_loop3A_187 : vector<16xi32>
          %parallel_loop3A_189 = arith.select %parallel_loop3A_185, %parallel_loop3A_188, %parallel_loop3A_180 : vector<16xi1>, vector<16xi32>
          %parallel_loop3A_190 = arith.constant 3 : i32
          %parallel_loop3A_191 = vector.broadcast %parallel_loop3A_190 : i32 to vector<16xi32>
          %parallel_loop3A_192 = arith.muli %parallel_loop3A_99, %parallel_loop3A_191 : vector<16xi32>
          %parallel_loop3A_193 = vector.broadcast %mul3A_83 : i32 to vector<16xi32>
          %parallel_loop3A_194 = arith.addi %parallel_loop3A_193, %parallel_loop3A_192 : vector<16xi32>
          %parallel_loop3A_195 = arith.constant 0 : i32
          %parallel_loop3A_196 = vector.broadcast %parallel_loop3A_195 : i32 to vector<16xi32>
          %parallel_loop3A_197 = arith.addi %parallel_loop3A_194, %parallel_loop3A_196 : vector<16xi32>
          %parallel_loop3A_198 = tpu.vector_load_idx %arg9[%parallel_loop3A_197] : memref<6144xf32, #tpu.memory_space<vmem>>[vector<16xi32>], vector<16xf32>,
          %parallel_loop3A_199 = arith.constant 1 : i32
          %parallel_loop3A_200 = vector.broadcast %parallel_loop3A_199 : i32 to vector<16xi32>
          %parallel_loop3A_201 = arith.addi %parallel_loop3A_194, %parallel_loop3A_200 : vector<16xi32>
          %parallel_loop3A_202 = tpu.vector_load_idx %arg9[%parallel_loop3A_201] : memref<6144xf32, #tpu.memory_space<vmem>>[vector<16xi32>], vector<16xf32>,
          %parallel_loop3A_203 = arith.constant 2 : i32
          %parallel_loop3A_204 = vector.broadcast %parallel_loop3A_203 : i32 to vector<16xi32>
          %parallel_loop3A_205 = arith.addi %parallel_loop3A_194, %parallel_loop3A_204 : vector<16xi32>
          %parallel_loop3A_206 = tpu.vector_load_idx %arg9[%parallel_loop3A_205] : memref<6144xf32, #tpu.memory_space<vmem>>[vector<16xi32>], vector<16xf32>,
          %parallel_loop3A_207 = arith.addi %multiple_of3A_65, %parallel_loop3A_96 : i32
          %parallel_loop3A_208 = vector.broadcast %parallel_loop3A_207 : i32 to vector<16xi32>
          %parallel_loop3A_209 = arith.addi %parallel_loop3A_208, %iota3A : vector<16xi32>
          %parallel_loop3A_210 = arith.constant 0 : i32
          %parallel_loop3A_211 = arith.constant 64 : i32
          %parallel_loop3A_212 = arith.constant 1 : i32
          scf.for %parallel_loop3A_213 = %parallel_loop3A_210 to %parallel_loop3A_211 step %parallel_loop3A_212  : i32 {
            %parallel_loop3A_214 = arith.constant -16 : i32
            %parallel_loop3A_215 = arith.andi %parallel_loop3A_213, %parallel_loop3A_214 : i32
            %parallel_loop3A_216 = vector.broadcast %parallel_loop3A_213 : i32 to vector<16xi32>
            %parallel_loop3A_217 = arith.addi %iota3A, %parallel_loop3A_216 : vector<16xi32>
            %parallel_loop3A_218 = arith.constant 15 : i32
            %parallel_loop3A_219 = vector.broadcast %parallel_loop3A_218 : i32 to vector<16xi32>
            %parallel_loop3A_220 = arith.andi %parallel_loop3A_217, %parallel_loop3A_219 : vector<16xi32>
            %parallel_loop3A_221 = vector.broadcast %parallel_loop3A_215 : i32 to vector<16xi32>
            %parallel_loop3A_222 = arith.addi %parallel_loop3A_221, %parallel_loop3A_220 : vector<16xi32>
            %parallel_loop3A_223 = arith.constant 0 : i32
            %parallel_loop3A_224 = vector.broadcast %parallel_loop3A_223 : i32 to vector<16xi32>
            %parallel_loop3A_225 = arith.addi %parallel_loop3A_222, %parallel_loop3A_224 : vector<16xi32>
            %parallel_loop3A_226 = tpu.vector_load_idx %arg10[%parallel_loop3A_209, %parallel_loop3A_225] : memref<256x256xf32, #tpu.memory_space<vmem>>[vector<16xi32>, vector<16xi32>], vector<16xf32>,
            %parallel_loop3A_227 = arith.mulf %parallel_loop3A_226, %parallel_loop3A_198 : vector<16xf32>
            %parallel_loop3A_228 = arith.constant 64 : i32
            %parallel_loop3A_229 = vector.broadcast %parallel_loop3A_228 : i32 to vector<16xi32>
            %parallel_loop3A_230 = arith.addi %parallel_loop3A_222, %parallel_loop3A_229 : vector<16xi32>
            %parallel_loop3A_231 = tpu.vector_load_idx %arg10[%parallel_loop3A_209, %parallel_loop3A_230] : memref<256x256xf32, #tpu.memory_space<vmem>>[vector<16xi32>, vector<16xi32>], vector<16xf32>,
            %parallel_loop3A_232 = arith.mulf %parallel_loop3A_231, %parallel_loop3A_202 : vector<16xf32>
            %parallel_loop3A_233 = arith.addf %parallel_loop3A_227, %parallel_loop3A_232 : vector<16xf32>
            %parallel_loop3A_234 = arith.constant 128 : i32
            %parallel_loop3A_235 = vector.broadcast %parallel_loop3A_234 : i32 to vector<16xi32>
            %parallel_loop3A_236 = arith.addi %parallel_loop3A_222, %parallel_loop3A_235 : vector<16xi32>
            %parallel_loop3A_237 = tpu.vector_load_idx %arg10[%parallel_loop3A_209, %parallel_loop3A_236] : memref<256x256xf32, #tpu.memory_space<vmem>>[vector<16xi32>, vector<16xi32>], vector<16xf32>,
            %parallel_loop3A_238 = arith.mulf %parallel_loop3A_237, %parallel_loop3A_206 : vector<16xf32>
            %parallel_loop3A_239 = arith.addf %parallel_loop3A_233, %parallel_loop3A_238 : vector<16xf32>
            %parallel_loop3A_240 = arith.constant 0.000000e+00 : f32
            %parallel_loop3A_241 = vector.broadcast %parallel_loop3A_240 : f32 to vector<16xf32>
            %parallel_loop3A_242 = arith.maximumf %parallel_loop3A_239, %parallel_loop3A_241 : vector<16xf32>
            tpu.vector_store_idx %arg11[%parallel_loop3A_189, %parallel_loop3A_222], %parallel_loop3A_242 masked %parallel_loop3A_106 {add = true} : memref<512x64xf32, #tpu.memory_space<vmem>>[vector<16xi32>, vector<16xi32>], vector<16xf32>, vector<16xi1>
          } {sc.loop_unroll_factor = 8 : i64, sc.parallel_access}
        } {sc.loop_unroll_factor = 1 : i64, sc.parallel_access}
      }
      %while3A_58 = arith.constant 1 : i32
      scf.for %while3A_59 = %while3A_56 to %while3A_52 step %while3A_58  : i32 {
        %and3A_60 = arith.andi %while3A_59, %scan3A_2 : i32
        %shift_right_logical3A = arith.constant 3 : i32
        %shift_right_logical3A_61 = arith.shrui %while3A_59, %shift_right_logical3A : i32
        %and3A_62 = arith.andi %shift_right_logical3A_61, %scan3A_2 : i32
        %mul3A_63 = arith.constant 128 : i32
        %mul3A_64 = arith.muli %and3A_60, %mul3A_63 : i32
        %multiple_of3A_65 = tpu.assume_multiple %mul3A_64, 8 : i32
        %mul3A_66 = arith.constant 1024 : i32
        %mul3A_67 = arith.muli %and3A_62, %mul3A_66 : i32
        %and3A_68 = arith.andi %while3A_59, %scan3A_3 : i32
        %mul3A_69 = arith.constant 128 : i32
        %mul3A_70 = arith.muli %and3A_68, %mul3A_69 : i32
        %add3A_71 = arith.addi %mul3A_67, %mul3A_70 : i32
        %multiple_of3A_72 = tpu.assume_multiple %add3A_71, 8 : i32
        %dma_wait3A = arith.constant 0 : i32
        %dma_wait3A_73 = tpu.memref_slice %arg10[%multiple_of3A_65, %dma_wait3A] : memref<256x256xf32, #tpu.memory_space<vmem>> -> memref<128x256xf32, #tpu.memory_space<vmem>>
        %dma_wait3A_74 = tpu.memref_slice %arg8[%multiple_of3A_72] : memref<2048xi32, #tpu.memory_space<vmem>> -> memref<128xi32, #tpu.memory_space<vmem>>
        %dma_wait3A_75 = arith.constant 0 : i32
        %dma_wait3A_76 = arith.constant 0 : i32
        %dma_wait3A_77 = tpu.memref_slice %arg2[%dma_wait3A_75, %dma_wait3A_76] : memref<16384x256xf32, #tpu.memory_space<hbm>> -> memref<16384x256xf32, #tpu.memory_space<hbm>>
        tpu.wait_indirect_dma semaphore(%arg12 : memref<!tpu.dma_semaphore, #tpu.memory_space<semaphore_mem>>) src(%dma_wait3A_77 : memref<16384x256xf32, #tpu.memory_space<hbm>>) dst(%dma_wait3A_73 : memref<128x256xf32, #tpu.memory_space<vmem>>)
        %add3A_78 = arith.addi %while3A_59, %scan3A_2 : i32
        %lt3A = arith.cmpi slt, %add3A_78, %select_n3A : i32
        %convert_element_type3A_79 = arith.extui %lt3A : i1 to i32
        %cond3A_80 = arith.constant 0 : i32
        %cond3A_81 = arith.cmpi ne, %convert_element_type3A_79, %cond3A_80 : i32
        scf.if %cond3A_81 {
          %shift_right_logical3A_94 = arith.constant 3 : i32
          %shift_right_logical3A_95 = arith.shrui %add3A_78, %shift_right_logical3A_94 : i32
          %and3A_96 = arith.andi %shift_right_logical3A_95, %scan3A_2 : i32
          %and3A_97 = arith.andi %add3A_78, %scan3A_3 : i32
          %eq3A = arith.constant 0 : i32
          %eq3A_98 = arith.cmpi eq, %and3A_97, %eq3A : i32
          %convert_element_type3A_99 = arith.extui %eq3A_98 : i1 to i32
          %cond3A_100 = arith.constant 0 : i32
          %cond3A_101 = arith.cmpi ne, %convert_element_type3A_99, %cond3A_100 : i32
          scf.if %cond3A_101 {
            %mul3A_118 = arith.constant 128 : i32
            %mul3A_119 = arith.muli %add3A_78, %mul3A_118 : i32
            %add3A_120 = arith.addi %multiple_of3A_27, %mul3A_119 : i32
            %multiple_of3A_121 = tpu.assume_multiple %add3A_120, 8 : i32
            %mul3A_122 = arith.constant 1024 : i32
            %mul3A_123 = arith.muli %and3A_96, %mul3A_122 : i32
            %multiple_of3A_124 = tpu.assume_multiple %mul3A_123, 8 : i32
            "tpu.region"() ({
              %run_scoped3A = tpu.sem_alloc : memref<!tpu.dma_semaphore, #tpu.memory_space<semaphore_mem>>
              %dma_start3A_133 = tpu.memref_slice %arg8[%multiple_of3A_124] : memref<2048xi32, #tpu.memory_space<vmem>> -> memref<1024xi32, #tpu.memory_space<vmem>>
              %dma_start3A_134 = tpu.memref_slice %arg4[%multiple_of3A_121] : memref<263168xi32, #tpu.memory_space<hbm>> -> memref<1024xi32, #tpu.memory_space<hbm>>
              %dma_start3A_135 = tpu.memref_slice %arg8[%multiple_of3A_124] : memref<2048xi32, #tpu.memory_space<vmem>> -> memref<1024xi32, #tpu.memory_space<vmem>>
              %dma_start3A_136 = tpu.memref_slice %arg4[%multiple_of3A_121] : memref<263168xi32, #tpu.memory_space<hbm>> -> memref<1024xi32, #tpu.memory_space<hbm>>
              tpu.enqueue_dma source(%dma_start3A_136 : memref<1024xi32, #tpu.memory_space<hbm>>) target(%dma_start3A_135 : memref<1024xi32, #tpu.memory_space<vmem>>) target_semaphore(%run_scoped3A : memref<!tpu.dma_semaphore, #tpu.memory_space<semaphore_mem>>)
              %dma_wait3A_137 = tpu.memref_slice %arg8[%multiple_of3A_124] : memref<2048xi32, #tpu.memory_space<vmem>> -> memref<1024xi32, #tpu.memory_space<vmem>>
              %dma_wait3A_138 = tpu.memref_slice %arg4[%multiple_of3A_121] : memref<263168xi32, #tpu.memory_space<hbm>> -> memref<1024xi32, #tpu.memory_space<hbm>>
              %dma_wait3A_139 = tpu.memref_slice %arg8[%multiple_of3A_124] : memref<2048xi32, #tpu.memory_space<vmem>> -> memref<1024xi32, #tpu.memory_space<vmem>>
              %dma_wait3A_140 = tpu.memref_slice %arg4[%multiple_of3A_121] : memref<263168xi32, #tpu.memory_space<hbm>> -> memref<1024xi32, #tpu.memory_space<hbm>>
              tpu.wait_dma2 semaphore(%run_scoped3A : memref<!tpu.dma_semaphore, #tpu.memory_space<semaphore_mem>>) src(%dma_wait3A_140 : memref<1024xi32, #tpu.memory_space<hbm>>) dst(%dma_wait3A_139 : memref<1024xi32, #tpu.memory_space<vmem>>)
              tpu.yield
            }) : () -> ()
            %mul3A_125 = arith.constant 3 : i32
            %mul3A_126 = arith.muli %multiple_of3A_121, %mul3A_125 : i32
            %multiple_of3A_127 = tpu.assume_multiple %mul3A_126, 8 : i32
            %mul3A_128 = arith.constant 1024 : i32
            %mul3A_129 = arith.muli %and3A_96, %mul3A_128 : i32
            %mul3A_130 = arith.constant 3 : i32
            %mul3A_131 = arith.muli %mul3A_129, %mul3A_130 : i32
            %multiple_of3A_132 = tpu.assume_multiple %mul3A_131, 8 : i32
            "tpu.region"() ({
              %run_scoped3A = tpu.sem_alloc : memref<!tpu.dma_semaphore, #tpu.memory_space<semaphore_mem>>
              %dma_start3A_133 = tpu.memref_slice %arg9[%multiple_of3A_132] : memref<6144xf32, #tpu.memory_space<vmem>> -> memref<3072xf32, #tpu.memory_space<vmem>>
              %dma_start3A_134 = tpu.memref_slice %arg3[%multiple_of3A_127] : memref<789504xf32, #tpu.memory_space<hbm>> -> memref<3072xf32, #tpu.memory_space<hbm>>
              %dma_start3A_135 = tpu.memref_slice %arg9[%multiple_of3A_132] : memref<6144xf32, #tpu.memory_space<vmem>> -> memref<3072xf32, #tpu.memory_space<vmem>>
              %dma_start3A_136 = tpu.memref_slice %arg3[%multiple_of3A_127] : memref<789504xf32, #tpu.memory_space<hbm>> -> memref<3072xf32, #tpu.memory_space<hbm>>
              tpu.enqueue_dma source(%dma_start3A_136 : memref<3072xf32, #tpu.memory_space<hbm>>) target(%dma_start3A_135 : memref<3072xf32, #tpu.memory_space<vmem>>) target_semaphore(%run_scoped3A : memref<!tpu.dma_semaphore, #tpu.memory_space<semaphore_mem>>)
              %dma_wait3A_137 = tpu.memref_slice %arg9[%multiple_of3A_132] : memref<6144xf32, #tpu.memory_space<vmem>> -> memref<3072xf32, #tpu.memory_space<vmem>>
              %dma_wait3A_138 = tpu.memref_slice %arg3[%multiple_of3A_127] : memref<789504xf32, #tpu.memory_space<hbm>> -> memref<3072xf32, #tpu.memory_space<hbm>>
              %dma_wait3A_139 = tpu.memref_slice %arg9[%multiple_of3A_132] : memref<6144xf32, #tpu.memory_space<vmem>> -> memref<3072xf32, #tpu.memory_space<vmem>>
              %dma_wait3A_140 = tpu.memref_slice %arg3[%multiple_of3A_127] : memref<789504xf32, #tpu.memory_space<hbm>> -> memref<3072xf32, #tpu.memory_space<hbm>>
              tpu.wait_dma2 semaphore(%run_scoped3A : memref<!tpu.dma_semaphore, #tpu.memory_space<semaphore_mem>>) src(%dma_wait3A_140 : memref<3072xf32, #tpu.memory_space<hbm>>) dst(%dma_wait3A_139 : memref<3072xf32, #tpu.memory_space<vmem>>)
              tpu.yield
            }) : () -> ()
          } else {
          }
          %mul3A_102 = arith.constant 1024 : i32
          %mul3A_103 = arith.muli %and3A_96, %mul3A_102 : i32
          %and3A_104 = arith.andi %add3A_78, %scan3A_3 : i32
          %mul3A_105 = arith.constant 128 : i32
          %mul3A_106 = arith.muli %and3A_104, %mul3A_105 : i32
          %add3A_107 = arith.addi %mul3A_103, %mul3A_106 : i32
          %multiple_of3A_108 = tpu.assume_multiple %add3A_107, 8 : i32
          %and3A_109 = arith.andi %add3A_78, %scan3A_2 : i32
          %mul3A_110 = arith.constant 128 : i32
          %mul3A_111 = arith.muli %and3A_109, %mul3A_110 : i32
          %multiple_of3A_112 = tpu.assume_multiple %mul3A_111, 8 : i32
          %dma_start3A = arith.constant 0 : i32
          %dma_start3A_113 = tpu.memref_slice %arg10[%multiple_of3A_112, %dma_start3A] : memref<256x256xf32, #tpu.memory_space<vmem>> -> memref<128x256xf32, #tpu.memory_space<vmem>>
          %dma_start3A_114 = tpu.memref_slice %arg8[%multiple_of3A_108] : memref<2048xi32, #tpu.memory_space<vmem>> -> memref<128xi32, #tpu.memory_space<vmem>>
          %dma_start3A_115 = arith.constant 0 : i32
          %dma_start3A_116 = arith.constant 0 : i32
          %dma_start3A_117 = tpu.memref_slice %arg2[%dma_start3A_115, %dma_start3A_116] : memref<16384x256xf32, #tpu.memory_space<hbm>> -> memref<16384x256xf32, #tpu.memory_space<hbm>>
          tpu.enqueue_indirect_dma source(%dma_start3A_117 : memref<16384x256xf32, #tpu.memory_space<hbm>>) target(%dma_start3A_113 : memref<128x256xf32, #tpu.memory_space<vmem>>) offsets(%dma_start3A_114 : memref<128xi32, #tpu.memory_space<vmem>>) semaphore(%arg12 : memref<!tpu.dma_semaphore, #tpu.memory_space<semaphore_mem>>)
        } else {
        }
        %mul3A_82 = arith.constant 3072 : i32
        %mul3A_83 = arith.muli %and3A_62, %mul3A_82 : i32
        %and3A_84 = arith.andi %while3A_59, %scan3A_3 : i32
        %mul3A_85 = arith.constant 128 : i32
        %mul3A_86 = arith.muli %and3A_84, %mul3A_85 : i32
        %not3A = arith.constant -1 : i32
        %not3A_87 = arith.xori %scan3A_3, %not3A : i32
        %and3A_88 = arith.andi %while3A_59, %not3A_87 : i32
        %mul3A_89 = arith.constant 128 : i32
        %mul3A_90 = arith.muli %and3A_88, %mul3A_89 : i32
        %add3A_91 = arith.addi %multiple_of3A_27, %mul3A_90 : i32
        %parallel_loop3A = arith.constant 0 : i32
        %parallel_loop3A_92 = arith.constant 8 : i32
        %parallel_loop3A_93 = arith.constant 1 : i32
        scf.for %parallel_loop3A_94 = %parallel_loop3A to %parallel_loop3A_92 step %parallel_loop3A_93  : i32 {
          %parallel_loop3A_95 = arith.constant 16 : i32
          %parallel_loop3A_96 = arith.muli %parallel_loop3A_94, %parallel_loop3A_95 : i32
          %parallel_loop3A_97 = arith.addi %mul3A_86, %parallel_loop3A_96 : i32
          %parallel_loop3A_98 = vector.broadcast %parallel_loop3A_97 : i32 to vector<16xi32>
          %parallel_loop3A_99 = arith.addi %parallel_loop3A_98, %iota3A : vector<16xi32>
          %parallel_loop3A_100 = vector.broadcast %add3A_91 : i32 to vector<16xi32>
          %parallel_loop3A_101 = arith.addi %parallel_loop3A_100, %parallel_loop3A_99 : vector<16xi32>
          %parallel_loop3A_102 = vector.broadcast %squeeze3A : i32 to vector<16xi32>
          %parallel_loop3A_103 = arith.cmpi sge, %parallel_loop3A_101, %parallel_loop3A_102 : vector<16xi32>
          %parallel_loop3A_104 = vector.broadcast %squeeze3A_19 : i32 to vector<16xi32>
          %parallel_loop3A_105 = arith.cmpi slt, %parallel_loop3A_101, %parallel_loop3A_104 : vector<16xi32>
          %parallel_loop3A_106 = arith.andi %parallel_loop3A_103, %parallel_loop3A_105 : vector<16xi1>
          %parallel_loop3A_107 = arith.constant 0 : i32
          %parallel_loop3A_108 = vector.broadcast %parallel_loop3A_107 : i32 to vector<16xi32>
          %parallel_loop3A_109 = arith.constant 256 : i32
          %parallel_loop3A_110 = vector.broadcast %parallel_loop3A_109 : i32 to vector<16xi32>
          %parallel_loop3A_111 = arith.addi %parallel_loop3A_108, %parallel_loop3A_110 : vector<16xi32>
          %parallel_loop3A_112 = tpu.vector_load_idx %arg7[%parallel_loop3A_111] : memref<528xi32, #tpu.memory_space<vmem>>[vector<16xi32>], vector<16xi32>,
          %parallel_loop3A_113 = arith.cmpi sle, %parallel_loop3A_112, %parallel_loop3A_101 : vector<16xi32>
          %parallel_loop3A_114 = arith.constant 256 : i32
          %parallel_loop3A_115 = vector.broadcast %parallel_loop3A_114 : i32 to vector<16xi32>
          %parallel_loop3A_116 = arith.addi %parallel_loop3A_108, %parallel_loop3A_115 : vector<16xi32>
          %parallel_loop3A_117 = arith.select %parallel_loop3A_113, %parallel_loop3A_116, %parallel_loop3A_108 : vector<16xi1>, vector<16xi32>
          %parallel_loop3A_118 = arith.constant 128 : i32
          %parallel_loop3A_119 = vector.broadcast %parallel_loop3A_118 : i32 to vector<16xi32>
          %parallel_loop3A_120 = arith.addi %parallel_loop3A_117, %parallel_loop3A_119 : vector<16xi32>
          %parallel_loop3A_121 = tpu.vector_load_idx %arg7[%parallel_loop3A_120] : memref<528xi32, #tpu.memory_space<vmem>>[vector<16xi32>], vector<16xi32>,
          %parallel_loop3A_122 = arith.cmpi sle, %parallel_loop3A_121, %parallel_loop3A_101 : vector<16xi32>
          %parallel_loop3A_123 = arith.constant 128 : i32
          %parallel_loop3A_124 = vector.broadcast %parallel_loop3A_123 : i32 to vector<16xi32>
          %parallel_loop3A_125 = arith.addi %parallel_loop3A_117, %parallel_loop3A_124 : vector<16xi32>
          %parallel_loop3A_126 = arith.select %parallel_loop3A_122, %parallel_loop3A_125, %parallel_loop3A_117 : vector<16xi1>, vector<16xi32>
          %parallel_loop3A_127 = arith.constant 64 : i32
          %parallel_loop3A_128 = vector.broadcast %parallel_loop3A_127 : i32 to vector<16xi32>
          %parallel_loop3A_129 = arith.addi %parallel_loop3A_126, %parallel_loop3A_128 : vector<16xi32>
          %parallel_loop3A_130 = tpu.vector_load_idx %arg7[%parallel_loop3A_129] : memref<528xi32, #tpu.memory_space<vmem>>[vector<16xi32>], vector<16xi32>,
          %parallel_loop3A_131 = arith.cmpi sle, %parallel_loop3A_130, %parallel_loop3A_101 : vector<16xi32>
          %parallel_loop3A_132 = arith.constant 64 : i32
          %parallel_loop3A_133 = vector.broadcast %parallel_loop3A_132 : i32 to vector<16xi32>
          %parallel_loop3A_134 = arith.addi %parallel_loop3A_126, %parallel_loop3A_133 : vector<16xi32>
          %parallel_loop3A_135 = arith.select %parallel_loop3A_131, %parallel_loop3A_134, %parallel_loop3A_126 : vector<16xi1>, vector<16xi32>
          %parallel_loop3A_136 = arith.constant 32 : i32
          %parallel_loop3A_137 = vector.broadcast %parallel_loop3A_136 : i32 to vector<16xi32>
          %parallel_loop3A_138 = arith.addi %parallel_loop3A_135, %parallel_loop3A_137 : vector<16xi32>
          %parallel_loop3A_139 = tpu.vector_load_idx %arg7[%parallel_loop3A_138] : memref<528xi32, #tpu.memory_space<vmem>>[vector<16xi32>], vector<16xi32>,
          %parallel_loop3A_140 = arith.cmpi sle, %parallel_loop3A_139, %parallel_loop3A_101 : vector<16xi32>
          %parallel_loop3A_141 = arith.constant 32 : i32
          %parallel_loop3A_142 = vector.broadcast %parallel_loop3A_141 : i32 to vector<16xi32>
          %parallel_loop3A_143 = arith.addi %parallel_loop3A_135, %parallel_loop3A_142 : vector<16xi32>
          %parallel_loop3A_144 = arith.select %parallel_loop3A_140, %parallel_loop3A_143, %parallel_loop3A_135 : vector<16xi1>, vector<16xi32>
          %parallel_loop3A_145 = arith.constant 16 : i32
          %parallel_loop3A_146 = vector.broadcast %parallel_loop3A_145 : i32 to vector<16xi32>
          %parallel_loop3A_147 = arith.addi %parallel_loop3A_144, %parallel_loop3A_146 : vector<16xi32>
          %parallel_loop3A_148 = tpu.vector_load_idx %arg7[%parallel_loop3A_147] : memref<528xi32, #tpu.memory_space<vmem>>[vector<16xi32>], vector<16xi32>,
          %parallel_loop3A_149 = arith.cmpi sle, %parallel_loop3A_148, %parallel_loop3A_101 : vector<16xi32>
          %parallel_loop3A_150 = arith.constant 16 : i32
          %parallel_loop3A_151 = vector.broadcast %parallel_loop3A_150 : i32 to vector<16xi32>
          %parallel_loop3A_152 = arith.addi %parallel_loop3A_144, %parallel_loop3A_151 : vector<16xi32>
          %parallel_loop3A_153 = arith.select %parallel_loop3A_149, %parallel_loop3A_152, %parallel_loop3A_144 : vector<16xi1>, vector<16xi32>
          %parallel_loop3A_154 = arith.constant 8 : i32
          %parallel_loop3A_155 = vector.broadcast %parallel_loop3A_154 : i32 to vector<16xi32>
          %parallel_loop3A_156 = arith.addi %parallel_loop3A_153, %parallel_loop3A_155 : vector<16xi32>
          %parallel_loop3A_157 = tpu.vector_load_idx %arg7[%parallel_loop3A_156] : memref<528xi32, #tpu.memory_space<vmem>>[vector<16xi32>], vector<16xi32>,
          %parallel_loop3A_158 = arith.cmpi sle, %parallel_loop3A_157, %parallel_loop3A_101 : vector<16xi32>
          %parallel_loop3A_159 = arith.constant 8 : i32
          %parallel_loop3A_160 = vector.broadcast %parallel_loop3A_159 : i32 to vector<16xi32>
          %parallel_loop3A_161 = arith.addi %parallel_loop3A_153, %parallel_loop3A_160 : vector<16xi32>
          %parallel_loop3A_162 = arith.select %parallel_loop3A_158, %parallel_loop3A_161, %parallel_loop3A_153 : vector<16xi1>, vector<16xi32>
          %parallel_loop3A_163 = arith.constant 4 : i32
          %parallel_loop3A_164 = vector.broadcast %parallel_loop3A_163 : i32 to vector<16xi32>
          %parallel_loop3A_165 = arith.addi %parallel_loop3A_162, %parallel_loop3A_164 : vector<16xi32>
          %parallel_loop3A_166 = tpu.vector_load_idx %arg7[%parallel_loop3A_165] : memref<528xi32, #tpu.memory_space<vmem>>[vector<16xi32>], vector<16xi32>,
          %parallel_loop3A_167 = arith.cmpi sle, %parallel_loop3A_166, %parallel_loop3A_101 : vector<16xi32>
          %parallel_loop3A_168 = arith.constant 4 : i32
          %parallel_loop3A_169 = vector.broadcast %parallel_loop3A_168 : i32 to vector<16xi32>
          %parallel_loop3A_170 = arith.addi %parallel_loop3A_162, %parallel_loop3A_169 : vector<16xi32>
          %parallel_loop3A_171 = arith.select %parallel_loop3A_167, %parallel_loop3A_170, %parallel_loop3A_162 : vector<16xi1>, vector<16xi32>
          %parallel_loop3A_172 = arith.constant 2 : i32
          %parallel_loop3A_173 = vector.broadcast %parallel_loop3A_172 : i32 to vector<16xi32>
          %parallel_loop3A_174 = arith.addi %parallel_loop3A_171, %parallel_loop3A_173 : vector<16xi32>
          %parallel_loop3A_175 = tpu.vector_load_idx %arg7[%parallel_loop3A_174] : memref<528xi32, #tpu.memory_space<vmem>>[vector<16xi32>], vector<16xi32>,
          %parallel_loop3A_176 = arith.cmpi sle, %parallel_loop3A_175, %parallel_loop3A_101 : vector<16xi32>
          %parallel_loop3A_177 = arith.constant 2 : i32
          %parallel_loop3A_178 = vector.broadcast %parallel_loop3A_177 : i32 to vector<16xi32>
          %parallel_loop3A_179 = arith.addi %parallel_loop3A_171, %parallel_loop3A_178 : vector<16xi32>
          %parallel_loop3A_180 = arith.select %parallel_loop3A_176, %parallel_loop3A_179, %parallel_loop3A_171 : vector<16xi1>, vector<16xi32>
          %parallel_loop3A_181 = arith.constant 1 : i32
          %parallel_loop3A_182 = vector.broadcast %parallel_loop3A_181 : i32 to vector<16xi32>
          %parallel_loop3A_183 = arith.addi %parallel_loop3A_180, %parallel_loop3A_182 : vector<16xi32>
          %parallel_loop3A_184 = tpu.vector_load_idx %arg7[%parallel_loop3A_183] : memref<528xi32, #tpu.memory_space<vmem>>[vector<16xi32>], vector<16xi32>,
          %parallel_loop3A_185 = arith.cmpi sle, %parallel_loop3A_184, %parallel_loop3A_101 : vector<16xi32>
          %parallel_loop3A_186 = arith.constant 1 : i32
          %parallel_loop3A_187 = vector.broadcast %parallel_loop3A_186 : i32 to vector<16xi32>
          %parallel_loop3A_188 = arith.addi %parallel_loop3A_180, %parallel_loop3A_187 : vector<16xi32>
          %parallel_loop3A_189 = arith.select %parallel_loop3A_185, %parallel_loop3A_188, %parallel_loop3A_180 : vector<16xi1>, vector<16xi32>
          %parallel_loop3A_190 = arith.constant 3 : i32
          %parallel_loop3A_191 = vector.broadcast %parallel_loop3A_190 : i32 to vector<16xi32>
          %parallel_loop3A_192 = arith.muli %parallel_loop3A_99, %parallel_loop3A_191 : vector<16xi32>
          %parallel_loop3A_193 = vector.broadcast %mul3A_83 : i32 to vector<16xi32>
          %parallel_loop3A_194 = arith.addi %parallel_loop3A_193, %parallel_loop3A_192 : vector<16xi32>
          %parallel_loop3A_195 = arith.constant 0 : i32
          %parallel_loop3A_196 = vector.broadcast %parallel_loop3A_195 : i32 to vector<16xi32>
          %parallel_loop3A_197 = arith.addi %parallel_loop3A_194, %parallel_loop3A_196 : vector<16xi32>
          %parallel_loop3A_198 = tpu.vector_load_idx %arg9[%parallel_loop3A_197] : memref<6144xf32, #tpu.memory_space<vmem>>[vector<16xi32>], vector<16xf32>,
          %parallel_loop3A_199 = arith.constant 1 : i32
          %parallel_loop3A_200 = vector.broadcast %parallel_loop3A_199 : i32 to vector<16xi32>
          %parallel_loop3A_201 = arith.addi %parallel_loop3A_194, %parallel_loop3A_200 : vector<16xi32>
          %parallel_loop3A_202 = tpu.vector_load_idx %arg9[%parallel_loop3A_201] : memref<6144xf32, #tpu.memory_space<vmem>>[vector<16xi32>], vector<16xf32>,
          %parallel_loop3A_203 = arith.constant 2 : i32
          %parallel_loop3A_204 = vector.broadcast %parallel_loop3A_203 : i32 to vector<16xi32>
          %parallel_loop3A_205 = arith.addi %parallel_loop3A_194, %parallel_loop3A_204 : vector<16xi32>
          %parallel_loop3A_206 = tpu.vector_load_idx %arg9[%parallel_loop3A_205] : memref<6144xf32, #tpu.memory_space<vmem>>[vector<16xi32>], vector<16xf32>,
          %parallel_loop3A_207 = arith.addi %multiple_of3A_65, %parallel_loop3A_96 : i32
          %parallel_loop3A_208 = vector.broadcast %parallel_loop3A_207 : i32 to vector<16xi32>
          %parallel_loop3A_209 = arith.addi %parallel_loop3A_208, %iota3A : vector<16xi32>
          %parallel_loop3A_210 = arith.constant 0 : i32
          %parallel_loop3A_211 = arith.constant 64 : i32
          %parallel_loop3A_212 = arith.constant 1 : i32
          scf.for %parallel_loop3A_213 = %parallel_loop3A_210 to %parallel_loop3A_211 step %parallel_loop3A_212  : i32 {
            %parallel_loop3A_214 = arith.constant -16 : i32
            %parallel_loop3A_215 = arith.andi %parallel_loop3A_213, %parallel_loop3A_214 : i32
            %parallel_loop3A_216 = vector.broadcast %parallel_loop3A_213 : i32 to vector<16xi32>
            %parallel_loop3A_217 = arith.addi %iota3A, %parallel_loop3A_216 : vector<16xi32>
            %parallel_loop3A_218 = arith.constant 15 : i32
            %parallel_loop3A_219 = vector.broadcast %parallel_loop3A_218 : i32 to vector<16xi32>
            %parallel_loop3A_220 = arith.andi %parallel_loop3A_217, %parallel_loop3A_219 : vector<16xi32>
            %parallel_loop3A_221 = vector.broadcast %parallel_loop3A_215 : i32 to vector<16xi32>
            %parallel_loop3A_222 = arith.addi %parallel_loop3A_221, %parallel_loop3A_220 : vector<16xi32>
            %parallel_loop3A_223 = arith.constant 0 : i32
            %parallel_loop3A_224 = vector.broadcast %parallel_loop3A_223 : i32 to vector<16xi32>
            %parallel_loop3A_225 = arith.addi %parallel_loop3A_222, %parallel_loop3A_224 : vector<16xi32>
            %parallel_loop3A_226 = tpu.vector_load_idx %arg10[%parallel_loop3A_209, %parallel_loop3A_225] : memref<256x256xf32, #tpu.memory_space<vmem>>[vector<16xi32>, vector<16xi32>], vector<16xf32>,
            %parallel_loop3A_227 = arith.mulf %parallel_loop3A_226, %parallel_loop3A_198 : vector<16xf32>
            %parallel_loop3A_228 = arith.constant 64 : i32
            %parallel_loop3A_229 = vector.broadcast %parallel_loop3A_228 : i32 to vector<16xi32>
            %parallel_loop3A_230 = arith.addi %parallel_loop3A_222, %parallel_loop3A_229 : vector<16xi32>
            %parallel_loop3A_231 = tpu.vector_load_idx %arg10[%parallel_loop3A_209, %parallel_loop3A_230] : memref<256x256xf32, #tpu.memory_space<vmem>>[vector<16xi32>, vector<16xi32>], vector<16xf32>,
            %parallel_loop3A_232 = arith.mulf %parallel_loop3A_231, %parallel_loop3A_202 : vector<16xf32>
            %parallel_loop3A_233 = arith.addf %parallel_loop3A_227, %parallel_loop3A_232 : vector<16xf32>
            %parallel_loop3A_234 = arith.constant 128 : i32
            %parallel_loop3A_235 = vector.broadcast %parallel_loop3A_234 : i32 to vector<16xi32>
            %parallel_loop3A_236 = arith.addi %parallel_loop3A_222, %parallel_loop3A_235 : vector<16xi32>
            %parallel_loop3A_237 = tpu.vector_load_idx %arg10[%parallel_loop3A_209, %parallel_loop3A_236] : memref<256x256xf32, #tpu.memory_space<vmem>>[vector<16xi32>, vector<16xi32>], vector<16xf32>,
            %parallel_loop3A_238 = arith.mulf %parallel_loop3A_237, %parallel_loop3A_206 : vector<16xf32>
            %parallel_loop3A_239 = arith.addf %parallel_loop3A_233, %parallel_loop3A_238 : vector<16xf32>
            %parallel_loop3A_240 = arith.constant 0.000000e+00 : f32
            %parallel_loop3A_241 = vector.broadcast %parallel_loop3A_240 : f32 to vector<16xf32>
            %parallel_loop3A_242 = arith.maximumf %parallel_loop3A_239, %parallel_loop3A_241 : vector<16xf32>
            tpu.vector_store_idx %arg11[%parallel_loop3A_189, %parallel_loop3A_222], %parallel_loop3A_242 masked %parallel_loop3A_106 {add = true} : memref<512x64xf32, #tpu.memory_space<vmem>>[vector<16xi32>, vector<16xi32>], vector<16xf32>, vector<16xi1>
          } {sc.loop_unroll_factor = 8 : i64, sc.parallel_access}
        } {sc.loop_unroll_factor = 1 : i64, sc.parallel_access}
      }
      %barrier3A = arith.constant 0 : index
      tpu.barrier barrier_id(%barrier3A)
      "tpu.region"() ({
        %run_scoped3A = tpu.sem_alloc : memref<!tpu.dma_semaphore, #tpu.memory_space<semaphore_mem>>
        %dma_start3A = arith.constant 0 : i32
        %dma_start3A_59 = tpu.memref_slice %arg6[%multiple_of3A, %dma_start3A] : memref<32768x64xf32, #tpu.memory_space<hbm>> -> memref<512x64xf32, #tpu.memory_space<hbm>>
        %dma_start3A_60 = arith.constant 0 : i32
        %dma_start3A_61 = tpu.memref_slice %arg6[%multiple_of3A, %dma_start3A_60] : memref<32768x64xf32, #tpu.memory_space<hbm>> -> memref<512x64xf32, #tpu.memory_space<hbm>>
        tpu.enqueue_dma source(%arg11 : memref<512x64xf32, #tpu.memory_space<vmem>>) target(%dma_start3A_61 : memref<512x64xf32, #tpu.memory_space<hbm>>) target_semaphore(%run_scoped3A : memref<!tpu.dma_semaphore, #tpu.memory_space<semaphore_mem>>)
        %dma_wait3A = arith.constant 0 : i32
        %dma_wait3A_62 = tpu.memref_slice %arg6[%multiple_of3A, %dma_wait3A] : memref<32768x64xf32, #tpu.memory_space<hbm>> -> memref<512x64xf32, #tpu.memory_space<hbm>>
        %dma_wait3A_63 = arith.constant 0 : i32
        %dma_wait3A_64 = tpu.memref_slice %arg6[%multiple_of3A, %dma_wait3A_63] : memref<32768x64xf32, #tpu.memory_space<hbm>> -> memref<512x64xf32, #tpu.memory_space<hbm>>
        tpu.wait_dma2 semaphore(%run_scoped3A : memref<!tpu.dma_semaphore, #tpu.memory_space<semaphore_mem>>) src(%arg11 : memref<512x64xf32, #tpu.memory_space<vmem>>) dst(%dma_wait3A_64 : memref<512x64xf32, #tpu.memory_space<hbm>>)
        tpu.yield
      }) : () -> ()
    }
    %scan3A_8 = arith.constant 2 : i32
    return
  }
}

module attributes {stable_mosaic.version = 14 : i64} {
  func.func @_dense_body(%arg0: i32, %arg1: memref<1024x64xf32, #tpu.memory_space<vmem>>, %arg2: memref<64x256xf32, #tpu.memory_space<vmem>>, %arg3: memref<1x256xf32, #tpu.memory_space<vmem>>, %arg4: memref<1024x256xf32, #tpu.memory_space<vmem>>) attributes {dimension_semantics = [#tpu.dimension_semantics<arbitrary>], iteration_bounds = array<i64: 16>, scalar_prefetch = 0 : i64, scratch_operands = 0 : i64, tpu.core_type = #tpu.core_type<tc>, window_params = [{transform_indices = @transform_0, window_bounds = array<i64: 1024, 64>}, {pipeline_mode = #tpu.pipeline_mode<synchronous>, transform_indices = @transform_1, window_bounds = array<i64: 64, 256>}, {pipeline_mode = #tpu.pipeline_mode<synchronous>, transform_indices = @transform_2, window_bounds = array<i64: 1, 256>}, {transform_indices = @transform_3, window_bounds = array<i64: 1024, 256>}]} {
    %get3A = arith.constant 0 : index
    %get3A_0 = arith.constant 0 : index
    %get3A_1 = vector.load %arg1[%get3A, %get3A_0] : memref<1024x64xf32, #tpu.memory_space<vmem>>, vector<1024x64xf32>
    %get3A_2 = arith.constant 0 : index
    %get3A_3 = arith.constant 0 : index
    %get3A_4 = vector.load %arg2[%get3A_2, %get3A_3] : memref<64x256xf32, #tpu.memory_space<vmem>>, vector<64x256xf32>
    %dot_general3A = arith.constant dense<0.000000e+00> : vector<1024x256xf32>
    %dot_general3A_5 = tpu.matmul %get3A_1, %get3A_4, %dot_general3A {dimension_numbers = #tpu.dot_dimension_numbers<[1], [0], [0], [1], [0, 0, 1, 1], [], []>, transpose_lhs_hint = false} : vector<1024x64xf32>, vector<64x256xf32>, vector<1024x256xf32> -> vector<1024x256xf32>
    %get3A_6 = arith.constant 0 : index
    %get3A_7 = arith.constant 0 : index
    %get3A_8 = vector.load %arg3[%get3A_6, %get3A_7] : memref<1x256xf32, #tpu.memory_space<vmem>>, vector<1x256xf32>
    %add3A = vector.broadcast %get3A_8 : vector<1x256xf32> to vector<1024x256xf32>
    %add3A_9 = arith.addf %dot_general3A_5, %add3A : vector<1024x256xf32>
    %swap3A = arith.constant 0 : index
    %swap3A_10 = arith.constant 0 : index
    %swap3A_11 = vector.load %arg4[%swap3A, %swap3A_10] : memref<1024x256xf32, #tpu.memory_space<vmem>>, vector<1024x256xf32>
    tpu.vector_store %arg4[%swap3A, %swap3A_10], %add3A_9 {strides = array<i32>} : memref<1024x256xf32, #tpu.memory_space<vmem>>, vector<1024x256xf32>,
    return
  }
  func.func @transform_0(%arg0: i32) -> (i32, i32) {
    %c0_i32 = arith.constant 0 : i32
    %c0_i32_0 = arith.constant 0 : i32
    return %arg0, %c0_i32 : i32, i32
  }
  func.func @transform_1(%arg0: i32) -> (i32, i32) {
    %c0_i32 = arith.constant 0 : i32
    %c0_i32_0 = arith.constant 0 : i32
    %c0_i32_1 = arith.constant 0 : i32
    return %c0_i32, %c0_i32_0 : i32, i32
  }
  func.func @transform_2(%arg0: i32) -> (i32, i32) {
    %c0_i32 = arith.constant 0 : i32
    %c0_i32_0 = arith.constant 0 : i32
    %c0_i32_1 = arith.constant 0 : i32
    return %c0_i32, %c0_i32_0 : i32, i32
  }
  func.func @transform_3(%arg0: i32) -> (i32, i32) {
    %c0_i32 = arith.constant 0 : i32
    %c0_i32_0 = arith.constant 0 : i32
    return %arg0, %c0_i32 : i32, i32
  }
}

</mosaic_0001>

<sc_bundles>
// kernel: kernel.4.cloned.1.call-start
scs
__scs_entry_jumppad:
0x0: {  	(pc) =	sbr.rel $0x88, $3  }
0x1: {  	(tag) =	ssettag $0x0;
	lr =	simm.s32 $0x1  }
0x2: {  	[smem:$0x3F9B] =	sst lr;
	_ =	strace $0xD0000000  }
0x3: {  	_ = 	snop  }
0x4: {  	_ = 	snop  }
0x5: {  	_ = 	snop  }
0x6: {  	_ = 	snop  }
0x7: {  	_ = 	snop  }
__scs_overlays_trampoline_lowered:
0x8: {  	[smem:$0x3FAA] =	sst s0  }
0x9: {  	[smem:$0x3FAB] =	sst s1  }
0xa: {  	[smem:$0x3FAC] =	sst s2  }
0xb: {  	[smem:$0x3FAD] =	sst s3  }
0xc: {  	[smem:$0x3FAE] =	sst s4  }
0xd: {  	[smem:$0x3FAF] =	sst s5  }
0xe: {  	[smem:$0x3FB0] =	sst s6  }
0xf: {  	[smem:$0x3FB1] =	sst s7  }
0x10: {  	[smem:$0x3FB2] =	sst s8  }
0x11: {  	[smem:$0x3FB3] =	sst s9;
	s0 =	simm.s32 @!p0 $0x0  }
0x12: {  	s1 =	sld [smem:$0x3F99];
	s0 =	simm.s32 @p0 $0x1  }
0x13: {  	[smem:$0x3FB4] =	sst s0;
	s0 =	simm.s32 @!p1 $0x0  }
0x14: {  	s2 =	sld [smem:$0x3F98];
	s0 =	simm.s32 @p1 $0x1  }
0x15: {  	[smem:$0x3FB5] =	sst s0;
	s0 =	simm.s32 @!p2 $0x0  }
0x16: {  	s3 =	sld [smem:$0x3FDB];
	s0 =	simm.s32 @p2 $0x1  }
0x17: {  	s4 =	simm.s32 $0x1BF5;
	[smem:$0x3FB7] =	sst s0  }
0x18: {  	s0 =	sld [smem:$0x3F9A];
	_ =	swait.ge [sflag:s4], $0x0  }
0x19: {  	s7 =	sld [smem:$0x3F9B]  }
0x1a: {  	s8 =	sadd.s32 $0xFFFFE003, lr  }
0x1b: {  	s9 =	sadd.s32 $0xFFFFFEF7, lr;
	s5 =	simm.s32 $0xFFFFFFFF;
	p2 =	slt.u32 s8, $0xFFFFF086  }
0x1c: {  	p1 =	slt.u32 s9, $0xF7A;
	s5 =	simm.s32 @!p2 $0x0  }
0x1d: {  	s5 =	simm.s32 @p1 $0x1;
	p0 =	seq.s32 s7, s2  }
0x1e: {  	s7 =	smul.u32 @!p0 $0xF7A, s2;
	p2 =	seq.s32 @!p0 s5, $0x0  }
0x1f: {  	s9 =	smul.u32 $0xF7A, s1;
	s8 =	simm.s32 @!p0 $0x1BF5;
	p2 =	por !p2, p0  }
0x20: {  	[sflag:s8] =	ssyncset.s32 @!p0 $0xFFFFF086;
	s6 =	sadd.s32 @!p0 s3, s7;
	s7 =	simm.s32 @!p0 $0x108  }
0x21: {  	s3 =	sadd.s32 s3, s9;
	s6 =	sadd.s32 @!p0 $0x88, s6;
	s7 =	simm.s32 @p2 $0x1082  }
0x22: {  	[simem:s7], [sflag:s8] =	dma.local @!p0 [hbm:s6], $0xF7A  }
0x23: {  	s9 =	sor.u32 $0xD0000000, s2;
	s6 =	simm.s32 $0x108;
	_ =	swait.ge @!p0 [sflag:s8], $0x0  }
0x24: {  	s3 =	sadd.s32 $0x88, s3;
	s6 =	simm.s32 @!p1 $0x1082;
	[sflag:s4] =	ssyncset.s32 $0xFFFFF086  }
0x25: {  	[simem:s6], [sflag:s4] =	dma.local [hbm:s3], $0xF7A  }
0x26: {  	[smem:$0x3F9B] =	sst s1;
	(tag) =	ssettag s2;
	_ =	strace s9  }
0x27: {  	s1 =	sld [smem:$0x3FAB]  }
0x28: {  	s2 =	sld [smem:$0x3FAC]  }
0x29: {  	s4 =	sld [smem:$0x3FAE]  }
0x2a: {  	p0 =	seq.s32 s5, $0x0;
	s5 =	sld [smem:$0x3FAF]  }
0x2b: {  	s6 =	sld [smem:$0x3FB0]  }
0x2c: {  	s7 =	sld [smem:$0x3FB1]  }
0x2d: {  	s3 =	simm.s32 $0x108;
	s8 =	sld [smem:$0x3FB2]  }
0x2e: {  	s3 =	simm.s32 @!p0 $0x1082;
	s9 =	sld [smem:$0x3FB3]  }
0x2f: {  	lr =	sadd.s32 s0, s3;
	s0 =	sld [smem:$0x3FAA]  }
0x30: {  	s3 =	sld [smem:$0x3FAD]  }
0x31: {  	[smem:$0x3FB6] =	sst s10  }
0x32: {  	s10 =	sld [smem:$0x3FB4];
	_ =	sdelay $0x3  }
0x33: {  	p0 =	seq.s32 s10, $0x1;
	s10 =	sld [smem:$0x3FB6];
	_ =	sdelay $0x3  }
0x34: {  	[smem:$0x3FB6] =	sst s10  }
0x35: {  	s10 =	sld [smem:$0x3FB5];
	_ =	sdelay $0x3  }
0x36: {  	p1 =	seq.s32 s10, $0x1;
	s10 =	sld [smem:$0x3FB6];
	_ =	sdelay $0x3  }
0x37: {  	[smem:$0x3FB6] =	sst s10  }
0x38: {  	s10 =	sld [smem:$0x3FB7]  }
0x39: {  	_ = 	snop;
	(pc) =	sbr.ind lr, $3  }
0x3a: {  	_ = 	snop  }
0x3b: {  	_ = 	snop  }
0x3c: {  	p2 =	seq.s32 s10, $0x1;
	s10 =	sld [smem:$0x3FB6]  }
0x3d: {  	_ =	shalt  }
0x3e: {  	_ =	shalt  }
0x3f: {  	_ =	shalt  }
0x40: {  	_ =	shalt  }
0x41: {  	_ =	shalt  }
0x42: {  	_ =	shalt  }
0x43: {  	_ =	shalt  }
0x44: {  	_ =	shalt  }
0x45: {  	_ =	shalt  }
0x46: {  	_ =	shalt  }
0x47: {  	_ =	shalt  }
0x48: {  	_ =	shalt  }
0x49: {  	_ =	shalt  }
0x4a: {  	_ =	shalt  }
0x4b: {  	_ =	shalt  }
0x4c: {  	_ =	shalt  }
0x4d: {  	_ =	shalt  }
0x4e: {  	_ =	shalt  }
0x4f: {  	_ =	shalt  }
0x50: {  	_ =	shalt  }
0x51: {  	_ =	shalt  }
0x52: {  	_ =	shalt  }
0x53: {  	_ =	shalt  }
0x54: {  	_ =	shalt  }
0x55: {  	_ =	shalt  }
0x56: {  	_ =	shalt  }
0x57: {  	_ =	shalt  }
0x58: {  	_ =	shalt  }
0x59: {  	_ =	shalt  }
0x5a: {  	_ =	shalt  }
0x5b: {  	_ =	shalt  }
0x5c: {  	_ =	shalt  }
0x5d: {  	_ =	shalt  }
0x5e: {  	_ =	shalt  }
0x5f: {  	_ =	shalt  }
0x60: {  	_ =	shalt  }
0x61: {  	_ =	shalt  }
0x62: {  	_ =	shalt  }
0x63: {  	_ =	shalt  }
0x64: {  	_ =	shalt  }
0x65: {  	_ =	shalt  }
0x66: {  	_ =	shalt  }
0x67: {  	_ =	shalt  }
0x68: {  	_ =	shalt  }
0x69: {  	_ =	shalt  }
0x6a: {  	_ =	shalt  }
0x6b: {  	_ =	shalt  }
0x6c: {  	_ =	shalt  }
0x6d: {  	_ =	shalt  }
0x6e: {  	_ =	shalt  }
0x6f: {  	_ =	shalt  }
0x70: {  	_ =	shalt  }
0x71: {  	_ =	shalt  }
0x72: {  	_ =	shalt  }
0x73: {  	_ =	shalt  }
0x74: {  	_ =	shalt  }
0x75: {  	_ =	shalt  }
0x76: {  	_ =	shalt  }
0x77: {  	_ =	shalt  }
0x78: {  	_ =	shalt  }
0x79: {  	_ =	shalt  }
0x7a: {  	_ =	shalt  }
0x7b: {  	_ =	shalt  }
0x7c: {  	_ =	shalt  }
0x7d: {  	_ =	shalt  }
0x7e: {  	_ =	shalt  }
0x7f: {  	_ =	shalt  }
0x80: {  	_ =	shalt  }
0x81: {  	_ =	shalt  }
0x82: {  	_ =	shalt  }
0x83: {  	_ =	shalt  }
0x84: {  	_ =	shalt  }
0x85: {  	_ =	shalt  }
0x86: {  	_ =	shalt  }
0x87: {  	_ =	shalt  }
.Lfunc_end0:
.L_simem_size_0:
called_computation_lowered:
.L_overlay_start_0:
0x88: {  	s2 =	sld [smem:$0x3FD9]  }
0x89: {  	s3 =	sld [smem:$0x3FFE];
	_ =	sdelay $0x1  }
0x8a: {  	s1 =	srdreg.scid  }
0x8b: {  	s0 =	sand.u32 $0x1, s1  }
0x8c: {  	s17 =	sshll.u32 s0, $0xA;
	s2 =	sadd.s32 s3, s2  }
0x8d: {  	s2 =	sadd.s32 s2, s17  }
0x8e: {  	[smem:$0x3FC2] =	sst s2  }
0x8f: {  	_ = 	snop  }
0x90: {  	s2 =	sld [smem:$0x3FD0];
	(tm) =	ssettm $0x1  }
0x91: {  	s18 =	sld [smem:$0x3FFB];
	_ =	sdelay $0x3  }
0x92: {  	_ =	strace s18  }
0x93: {  	s3 =	sld [smem:$0x3FFC];
	_ =	sdelay $0x3  }
0x94: {  	_ =	strace s3  }
0x95: {  	s3 =	sld [smem:$0x3FFD];
	_ =	sdelay $0x3  }
0x96: {  	_ =	strace s3  }
0x97: {  	_ =	strace $0x8FFFFFFF  }
0x98: {  	s19 =	sld [smem:$0x3FDB];
	_ =	sdelay $0x1  }
0x99: {  	s4 =	simm.s32 $_scs_section_size  }
0x9a: {  	s5 =	simm.s32 $_size__tile_overlayer_lowered;
	s6 =	simm.s32 $_tile_overlayer_lowered  }
0x9b: {  	s22 =	simm.s32 $0x1BFF;
	s21 =	sshll.u32 s6, $0x1;
	s3 =	sadd.s32 s4, s19  }
0x9c: {  	s7 =	simm.s32 $0x0;
	s20 =	sshll.u32 s5, $0x1;
	s5 =	sadd.s32 s21, s3  }
0x9d: {  	[timem:s7], [sflag:s22] =	dma.local [hbm:s5], s20  }
0x9e: {  	_ =	swait.ge [sflag:s22], s20  }
0x9f: {  	s4 =	ssub.s32 $0x0, s20;
	[sflag:s22] =	ssyncset.done $0x0  }
0xa0: {  	[sflag:s22] =	ssyncadd.s32 s4;
	_ =	sdelay $0x1  }
0xa1: {  	s23 =	simm.s32 $0x1B8B  }
0xa2: {  	_ =	swait.ge [sflag:s23], $0x1  }
0xa3: {  	[sflag:s23] =	ssyncset.done $0x0  }
0xa4: {  	s25 =	simm.s32 $0x1B8E;
	s24 =	sld [smem:$0x3FFE];
	[sflag:s23] =	ssyncadd.s32 $0xFFFFFFFF  }
0xa5: {  	s26 =	simm.s32 $execute0_lowered;
	[smem:$0x3FD2] =	sst s25  }
0xa6: {  	s5 =	sshll.u32 s26, $0x1;
	_ =	strace $0x80000046;
	[dreg:$0x1] =	wrdreg $0xFFFFFFFF  }
0xa7: {  	s28 =	simm.s32 $_size_execute0_lowered;
	s3 =	sadd.s32 s3, s5;
	[dreg:$0x0] =	wrdreg $0x0  }
0xa8: {  	s5 =	sshll.u32 s28, $0x1;
	[dreg:$0x2] =	wrdreg s3  }
0xa9: {  	[dreg:$0x3] =	wrdreg s5  }
0xaa: {  	[dreg:$0x4] =	wrdreg $0xC0  }
0xab: {  	_ =	task [dreg:s7], $0x5FFFF  }
0xac: {  	[dreg:$0x1] =	wrdreg $0xFFFFFFFF  }
0xad: {  	[dreg:$0x0] =	wrdreg $0x60  }
0xae: {  	[dreg:$0x2] =	wrdreg s24  }
0xaf: {  	[dreg:$0x3] =	wrdreg s2  }
0xb0: {  	[dreg:$0x4] =	wrdreg $0x9  }
0xb1: {  	_ =	task.clear_ibuf [dreg:s7], $0x5FFFF;
	_ =	strace $0x90000046  }
0xb2: {  	s29 =	simm.s32 $0x9;
	_ =	strace $0x80000048  }
0xb3: {  	_ =	swait.ge [sflag:s29], $0x1  }
0xb4: {  	[sflag:s29] =	ssyncadd.s32 $0xFFFFFFFF  }
0xb5: {  	_ =	strace $0x90000048  }
0xb6: {  	_ =	sfence  }
0xb7: {  	s30 =	sld [smem:$0x0];
	_ =	sdelay $0x2  }
0xb8: {  	s31 =	sshll.u32 s1, $0xD;
	s1 =	sshrl.u32 s1, $0x2  }
0xb9: {  	s3 =	sand.u32 $0x4000, s31;
	s1 =	sadd.s32 s1, s30  }
0xba: {  	s0 =	sor.u32 s3, s0;
	s1 =	sshll.u32 s1, $0x11  }
0xbb: {  	s0 =	sor.u32 s1, s0  }
0xbc: {  	s0 =	sadd.s32 $0x8F2B, s0  }
0xbd: {  	[sflag:s0] =	ssyncadd.remote.s32 $0x1  }
0xbe: {  	_ =	sfence.sel $0xFFFF  }
0xbf: {  	[dreg:$0x0] =	wrdreg $0xFFFFFFFF;
	(pc) =	sbr.abs _section_cstart, $3  }
0xc0: {  	[dreg:$0x1] =	wrdreg $0xFFFFFFFF  }
0xc1: {  	_ =	task.clear_ibuf [dreg:s7], $0x2FFFF;
	_ =	strace $0x9FFFFFFF  }
0xc2: {  	(tm) =	ssettm $0x7FFFFFFF  }
0xc3: {  	_ =	shalt  }
tec
execute0_lowered:
.L_overlay_start_1:
0x0: {  	(tag) =	ssettag $0x1  }
0x1: {  	s7 =	rddreg [dreg:$0x0]  }
0x2: {  	s1 =	rddreg [dreg:$0x1]  }
0x3: {  	s0 =	rddreg [dreg:$0x2];
	s2 =	simm.s32 $0x0;
	s3 =	srdreg.scid  }
0x4: {  	s12 =	simm.s32 $0x210;
	s13 =	simm.s32 $0xA10;
	s14 =	simm.s32 $0x80  }
0x5: {  	s15 =	simm.s32 $0x2210;
	s16 =	simm.s32 $0x12210;
	s17 =	simm.s32 $0x0  }
0x6: {  	[smem:$0x7FF] =	sst s2;
	s4 =	sadd.s32 $0x99000, s7;
	s5 =	sadd.s32 $0xE00, s7  }
.Ltmp0:
0x7: {  	s8 =	sand.u32 $0x1, s3;
	s6 =	sadd.s32 $0x19000, s7;
	(pc) =	sbr.rel .LBB2_1-.Ltmp0, $4  }
0x8: {  	s3 =	stileid.u32;
	s7 =	sadd.s32 $0x21200, s7;
	s9 =	ssub.s32 $0x2, s8  }
0x9: {  	v0 =	vlaneseq.u32;
	s11 =	sshll.u32 s3, $0x2;
	s8 =	sshll.u32 s8, $0x1;
	s10 =	sshrl.u32 s9, $0x1  }
0xa: {  	v1 =	vimm.f32 $0.0e+00;
	v3 =	vand.u32 $0x7, v0;
	_ =	strace $0x80000047;
	s8 =	sor.u32 s8, s11;
	s9 =	ssub.s32 s9, s10  }
0xb: {  	v4 =	vmul.u32 $0x100, v0;
	v5 =	vor.u32 $0x40, v3;
	v6 =	vor.u32 $0x80, v3;
	s11 =	simm.s32 $0x1;
	s10 =	simm.s32 $0x2;
	s9 =	smax.u32 s9, $0x1  }
.LBB2_12:
0xc: {  	s17 =	sadd.s32 $0x1, s17  }
0xd: {  	p0 =	sne.s32 s17, s9  }
.Ltmp1:
0xe: {  	_ = 	snop;
	(pc) =	sbr.rel @!p0 .LBB2_13-.Ltmp1, $1  }
0xf: {  	_ =	sdelay $0x3  }
.LBB2_1:
.Ltmp2:
0x10: {  	(pc) =	sbr.rel .LBB2_2-.Ltmp2, $2  }
0x11: {  	_ =	sdelay $0x2  }
0x12: {  	p1 =	por $0x1, $0x1;
	s18 =	simm.s32 $0x0  }
.LBB2_11:
0x13: {  	s18 =	sshll.u32 s18, $0xC  }
.Ltmp3:
0x14: {  	[bflag:$0x0] =	sbarrier.arrive $0xFFFF;
	s18 =	sadd.s32 s1, s18;
	(pc) =	sbr.rel @!p0 .LBB2_12-.Ltmp3, $4  }
0x15: {  	[hbm4b:s18+s2] =	stream.linear.scatter [tilespmem:s16], [sflag:$0x2], $0x8000, $0x38;
	[tilespmem:$0x1A210] =	vst v63  }
0x16: {  	_ =	swait.ge [sflag:s10], $0x8000  }
0x17: {  	[sflag:s10] =	ssyncset.done $0x0  }
0x18: {  	p1 =	por $0x0, $0x0;
	s18 =	simm.s32 $0x1;
	[sflag:s10] =	ssyncadd.s32 $0xFFFF8000  }
.LBB2_2:
0x19: {  	s18 =	sor.u32 s8, s18  }
0x1a: {  	s19 =	sshll.u32 s18, $0x6  }
0x1b: {  	s20 =	simm.s32 $0x0;
	s19 =	sadd.s32 s7, s19  }
0x1c: {  	[tilespmem:s20], [sflag:$0x2] =	stream.linear.gather [hbm4b:s19+s20], $0x210, $0x38;
	[tilespmem:$0x1A210] =	vst v63  }
0x1d: {  	_ =	swait.ge [sflag:s10], $0x210  }
0x1e: {  	[sflag:s10] =	ssyncset.done $0x0  }
0x1f: {  	[sflag:s10] =	ssyncadd.s32 $0xFFFFFDF0  }
0x20: {  	v7 =	vld [tilespmem:$0x0]  }
0x21: {  	p0 =	por p1, p1;
	s21 =	simm.s32 $0x0;
	s19 =	simm.s32 $0x100;
	v8 =	vld [tilespmem:$0x200]  }
.LBB2_3:
0x22: {  	p1 =	sne.s32 s19, $0x1FF00;
	[tilespmem:s21+$0x12240] =	vst v1;
	s20 =	smov.u32 s19;
	s19 =	sadd.s32 $0x100, s19  }
.Ltmp4:
0x23: {  	[tilespmem:s21+$0x12230] =	vst v1;
	(pc) =	sbr.rel @p1 .LBB2_3-.Ltmp4, $3  }
0x24: {  	[tilespmem:s21+$0x12210] =	vst v1  }
0x25: {  	[tilespmem:s21+$0x12220] =	vst v1;
	_ =	sdelay $0x1  }
0x26: {  	s21 =	sshra.s32 s20, $0x2  }
0x27: {  	(v2sf) =	vpush v7, $0x0  }
0x28: {  	(v2sf) =	vpush v8, $0x0;
	_ =	sdelay $0xd  }
0x29: {  	s22 =	spop (v2sf)  }
0x2a: {  	s20 =	spop (v2sf);
	s19 =	sand.u32 $0xFFFFFFF8, s22  }
0x2b: {  	s20 =	ssub.s32 s20, s19  }
0x2c: {  	s20 =	sadd.s32 $0x7F, s20  }
0x2d: {  	s23 =	sand.u32 $0x7F, s20  }
0x2e: {  	s31 =	sshra.s32 s20, $0x1F;
	p2 =	slt.s32 s20, $0x1;
	p1 =	sne.s32 s23, $0x0  }
0x2f: {  	s23 =	sshrl.u32 s31, $0x19;
	p1 =	por !p2, !p1  }
0x30: {  	s20 =	sadd.s32 s23, s20;
	s23 =	simm.s32 $0x1;
	p1 =	por !p1, !p1  }
0x31: {  	s20 =	sshra.s32 s20, $0x7;
	s23 =	simm.s32 @!p1 $0x0  }
0x32: {  	s20 =	ssub.s32 s20, s23  }
0x33: {  	p1 =	slt.s32 s20, $0x1  }
.Ltmp5:
0x34: {  	_ = 	snop;
	(pc) =	sbr.rel @p1 .LBB2_11-.Ltmp5, $4  }
0x35: {  	[tilespmem:s21+$0x12240] =	vst v1  }
0x36: {  	[tilespmem:s21+$0x12230] =	vst v1  }
0x37: {  	[tilespmem:s21+$0x12210] =	vst v1  }
0x38: {  	[tilespmem:s21+$0x12220] =	vst v1  }
0x39: {  	s21 =	sshrl.u32 s22, $0x3  }
0x3a: {  	s31 =	smul.u32 $0x3, s19;
	s22 =	sadd.s32 s6, s21;
	s21 =	simm.s32 $0x0  }
0x3b: {  	[tilespmem:s12], [sflag:$0x2] =	stream.linear.gather [hbm4b:s22+s21], $0x400, $0x38;
	[tilespmem:$0x1A210] =	vst v63  }
0x3c: {  	_ =	swait.ge [sflag:s10], $0x400  }
0x3d: {  	s22 =	sshrl.u32 s31, $0x3;
	[sflag:s10] =	ssyncset.done $0x0  }
0x3e: {  	s22 =	sadd.s32 s5, s22;
	[sflag:s10] =	ssyncadd.s32 $0xFFFFFC00  }
0x3f: {  	[tilespmem:s13], [sflag:$0x2] =	stream.linear.gather [hbm4b:s22+s21], $0xC00, $0x38;
	[tilespmem:$0x1A210] =	vst v63  }
0x40: {  	_ =	swait.ge [sflag:s10], $0xC00  }
0x41: {  	[sflag:s10] =	ssyncset.done $0x0  }
0x42: {  	[sflag:s10] =	ssyncadd.s32 $0xFFFFF400  }
0x43: {  	v7 =	vbroadcast v7, $0x0;
	v8 =	vbroadcast v8, $0x0;
	[tilespmem:s15], [sflag:$0x1] =	stream.indirect.gather [hbm4b:s4+s14], $0x100, s12, s14, $0xb8;
	[tilespmem:$0x1A210] =	vst v63  }
.LBB2_7:
0x44: {  	s22 =	smov.u32 s21;
	s21 =	sadd.s32 $0x1, s21  }
0x45: {  	p1 =	sge.s32 s21, s20  }
0x46: {  	s23 =	sand.u32 @!p1 $0x7, s21  }
0x47: {  	p2 =	sne.s32 @!p1 s23, $0x0  }
0x48: {  	_ =	swait.ge [sflag:s11], $0x8000;
	s24 =	sshrl.u32 @!p1 s21, $0x3;
	p2 =	por p2, p1  }
0x49: {  	[sflag:s11] =	ssyncset.done $0x0;
	s24 =	sand.u32 @!p1 $0x1, s24;
	s25 =	sshll.u32 @!p2 s21, $0x7  }
0x4a: {  	[sflag:s11] =	ssyncadd.s32 $0xFFFF8000;
	s26 =	sshll.u32 @!p1 s24, $0xC;
	s25 =	sadd.s32 @!p2 s19, s25  }
0x4b: {  	s28 =	sshrl.u32 @!p2 s26, $0x2;
	s30 =	simm.s32 @!p2 $0x0;
	s29 =	sshrl.u32 @!p2 s25, $0x3  }
0x4c: {  	s24 =	smul.u32 @!p2 $0x3000, s24;
	s28 =	sadd.s32 @!p2 $0x210, s28;
	s29 =	sadd.s32 @!p2 s6, s29  }
0x4d: {  	[tilespmem:s28], [sflag:$0x2] =	stream.linear.gather @!p2 [hbm4b:s29+s30], $0x400, $0x38;
	[tilespmem:$0x1A210] =	vst v63  }
0x4e: {  	s25 =	smul.u32 @!p2 $0x3, s25;
	s24 =	sshrl.u32 @!p2 s24, $0x2;
	s28 =	simm.s32 @!p2 $0x2  }
0x4f: {  	s23 =	sshll.u32 @!p1 s23, $0x7;
	s24 =	sadd.s32 @!p2 $0xA10, s24;
	_ =	swait.ge @!p2 [sflag:s28], $0x400  }
0x50: {  	s25 =	sshrl.u32 @!p2 s25, $0x3;
	s29 =	sshll.u32 s22, $0x7;
	[sflag:s28] =	ssyncset.done @!p2 $0x0  }
0x51: {  	s22 =	sshll.u32 s22, $0x1C;
	s25 =	sadd.s32 @!p2 s5, s25;
	[sflag:s28] =	ssyncadd.s32 @!p2 $0xFFFFFC00  }
0x52: {  	[tilespmem:s24], [sflag:$0x2] =	stream.linear.gather @!p2 [hbm4b:s25+s30], $0xC00, $0x38;
	[tilespmem:$0x1A210] =	vst v63  }
0x53: {  	s22 =	sshra.s32 s22, $0x1F;
	s24 =	sshll.u32 @!p1 s21, $0xF;
	s25 =	sshrl.u32 @!p1 s26, $0x2  }
0x54: {  	s30 =	sand.u32 $0xFFFFFC00, s29;
	_ =	swait.ge @!p2 [sflag:s28], $0xC00;
	s24 =	sand.u32 @!p1 $0x8000, s24  }
0x55: {  	s23 =	sadd.s32 @!p1 s23, s25;
	s25 =	simm.s32 @!p1 $0x80;
	[sflag:s28] =	ssyncset.done @!p2 $0x0  }
0x56: {  	s24 =	sor.u32 @!p1 $0x2210, s24;
	s23 =	sadd.s32 @!p1 $0x210, s23;
	[sflag:s28] =	ssyncadd.s32 @!p2 $0xFFFFF400  }
0x57: {  	[tilespmem:s24], [sflag:$0x1] =	stream.indirect.gather @!p1 [hbm4b:s4+s25], $0x100, s23, s25, $0xb8;
	[tilespmem:$0x1A210] =	vst v63  }
0x58: {  	s31 =	sand.u32 $0xC00, s22;
	s24 =	sadd.s32 s19, s30  }
0x59: {  	s22 =	sand.u32 $0x80, s29;
	v10 =	vmov s31;
	s23 =	sand.u32 $0x380, s29;
	v9 =	vmov s24;
	s24 =	simm.s32 $0x0  }
.LBB2_8:
0x5a: {  	v2 =	vimm.s32 $0x100;
	_ =	sdelay $0x3  }
0x5b: {  	s25 =	simm.s32 $0x0  }
0x5c: {  	v11 =	vld.idx.msk [tilespmem:v2+s25+$0x0], $0xffff  }
0x5d: {  	s26 =	sshll.u32 s24, $0x4  }
0x5e: {  	s28 =	sor.u32 s23, s26  }
0x5f: {  	v12 =	vor.u32 s28, v0  }
0x60: {  	v13 =	vadd.s32 v9, v12  }
0x61: {  	vm0 =	vgt.s32 v11, v13  }
0x62: {  	v11 =	vsel vm0, $0x0, v2  }
0x63: {  	v14 =	vor.u32 $0x80, v11;
	_ =	sdelay $0x4  }
0x64: {  	v15 =	vld.idx.msk [tilespmem:v14+s25+$0x0], $0xffff;
	_ =	sdelay $0x4  }
0x65: {  	vm0 =	vgt.s32 v15, v13  }
0x66: {  	v11 =	vsel vm0, v11, v14  }
0x67: {  	v14 =	vor.u32 $0x40, v11;
	_ =	sdelay $0x4  }
0x68: {  	v15 =	vld.idx.msk [tilespmem:v14+s25+$0x0], $0xffff;
	_ =	sdelay $0x4  }
0x69: {  	vm0 =	vgt.s32 v15, v13  }
0x6a: {  	v11 =	vsel vm0, v11, v14  }
0x6b: {  	v14 =	vor.u32 $0x20, v11;
	_ =	sdelay $0x4  }
0x6c: {  	v15 =	vld.idx.msk [tilespmem:v14+s25+$0x0], $0xffff;
	_ =	sdelay $0x4  }
0x6d: {  	vm0 =	vgt.s32 v15, v13  }
0x6e: {  	v11 =	vsel vm0, v11, v14  }
0x6f: {  	v14 =	vadd.s32 $0x10, v11;
	_ =	sdelay $0x4  }
0x70: {  	v15 =	vld.idx.msk [tilespmem:v14+s25+$0x0], $0xffff;
	_ =	sdelay $0x4  }
0x71: {  	vm0 =	vgt.s32 v15, v13  }
0x72: {  	v11 =	vsel vm0, v11, v14  }
0x73: {  	v14 =	vadd.s32 $0x8, v11;
	_ =	sdelay $0x4  }
0x74: {  	v15 =	vld.idx.msk [tilespmem:v14+s25+$0x0], $0xffff;
	_ =	sdelay $0x4  }
0x75: {  	vm0 =	vgt.s32 v15, v13  }
0x76: {  	v11 =	vsel vm0, v11, v14  }
0x77: {  	v14 =	vadd.s32 $0x4, v11;
	_ =	sdelay $0x4  }
0x78: {  	v15 =	vld.idx.msk [tilespmem:v14+s25+$0x0], $0xffff;
	_ =	sdelay $0x4  }
0x79: {  	vm0 =	vgt.s32 v15, v13  }
0x7a: {  	v11 =	vsel vm0, v11, v14  }
0x7b: {  	v14 =	vadd.s32 $0x2, v11;
	_ =	sdelay $0x4  }
0x7c: {  	v15 =	vld.idx.msk [tilespmem:v14+s25+$0x0], $0xffff;
	_ =	sdelay $0x2  }
0x7d: {  	s31 =	simm.s32 $0x1;
	s29 =	simm.s32 $0x3  }
0x7e: {  	s30 =	simm.s32 $0x5;
	v18 =	vadd.s32 s31, v0;
	v24 =	vadd.s32 s25, v0;
	v25 =	vadd.s32 s29, v0  }
0x7f: {  	v27 =	vadd.s32 s30, v0;
	v24 =	vand.u32 $0x8, v24;
	vm0 =	vgt.s32 v15, v13  }
0x80: {  	v29 =	vand.u32 $0x7, v18;
	v31 =	vand.u32 $0x7, v25;
	v11 =	vsel vm0, v11, v14  }
0x81: {  	s31 =	simm.s32 $0x7;
	v33 =	vand.u32 $0x7, v27;
	v18 =	vand.u32 $0x8, v18;
	v14 =	vadd.s32 $0x1, v11  }
0x82: {  	s28 =	simm.s32 $0x2;
	v25 =	vand.u32 $0x8, v25;
	v27 =	vand.u32 $0x8, v27;
	v46 =	vadd.s32 s31, v0  }
0x83: {  	s31 =	simm.s32 $0xD;
	v12 =	vmul.u32 $0x3, v12;
	v23 =	vadd.s32 s28, v0;
	v48 =	vand.u32 $0x8, v46  }
0x84: {  	s28 =	simm.s32 $0x4;
	v46 =	vand.u32 $0x7, v46;
	v62 =	vadd.s32 s31, v0;
	vm1 =	vlt.s32 v13, v8  }
0x85: {  	v26 =	vadd.s32 s28, v0;
	s28 =	simm.s32 $0x6;
	v30 =	vand.u32 $0x7, v23;
	v23 =	vand.u32 $0x8, v23  }
0x86: {  	v16 =	vadd.s32 v10, v12;
	v28 =	vadd.s32 s28, v0;
	v32 =	vand.u32 $0x7, v26;
	v15 =	vld.idx.msk [tilespmem:v14+s25+$0x0], $0xffff  }
0x87: {  	v26 =	vand.u32 $0x8, v26;
	v19 =	vadd.s32 $0x1, v16;
	v22 =	vadd.s32 $0x2, v16  }
0x88: {  	v34 =	vand.u32 $0x7, v28;
	v28 =	vand.u32 $0x8, v28;
	vm0 =	vge.s32 v13, v7;
	s25 =	sand.u32 $0x30, s25  }
0x89: {  	vm0 =	vmand vm0, vm1;
	v49 =	vor.u32 s25, v18;
	v18 =	vor.u32 s25, v48  }
0x8a: {  	s26 =	sor.u32 s22, s26;
	v23 =	vor.u32 s25, v23;
	v25 =	vor.u32 s25, v25;
	v26 =	vor.u32 s25, v26  }
0x8b: {  	v27 =	vor.u32 s25, v27;
	vm1 =	vgt.s32 v15, v13;
	v13 =	vmov s26  }
0x8c: {  	v28 =	vor.u32 s25, v28;
	v52 =	vor.u32 s25, v24;
	v12 =	vshll.u32 v13, $0x8  }
0x8d: {  	v50 =	vor.u32 v46, v18;
	v11 =	vsel vm1, v11, v14;
	v20 =	vor.u32 v4, v12  }
0x8e: {  	v12 =	vshll.u32 v11, $0x6;
	v15 =	vor.u32 v3, v20;
	v21 =	vor.u32 $0x80, v20  }
0x8f: {  	v17 =	vor.u32 $0x40, v20;
	v51 =	vor.u32 v20, v50;
	v35 =	vor.u32 v29, v21  }
0x90: {  	v36 =	vor.u32 v30, v21;
	v37 =	vor.u32 v31, v21;
	v38 =	vor.u32 v32, v21  }
0x91: {  	v39 =	vor.u32 v33, v21;
	v41 =	vor.u32 v29, v17;
	v63 =	vor.u32 v46, v17  }
0x92: {  	v42 =	vor.u32 v30, v17;
	v46 =	vor.u32 v46, v21;
	v48 =	vor.u32 v18, v63  }
0x93: {  	v19 =	vld.idx.msk [tilespmem:v19+s13+$0x0], $0xffff;
	v43 =	vor.u32 v31, v17;
	v29 =	vor.u32 v29, v49;
	v46 =	vor.u32 v18, v46  }
0x94: {  	v44 =	vor.u32 v32, v17;
	v30 =	vor.u32 v30, v23;
	v18 =	vld.idx.msk [tilespmem:v16+s13+$0x0], $0xffff;
	v24 =	vor.u32 v20, v29  }
0x95: {  	v45 =	vor.u32 v33, v17;
	v31 =	vor.u32 v31, v25;
	v53 =	vor.u32 v20, v30;
	v16 =	vld.idx.msk [tilespmem:v22+s13+$0x0], $0xffff  }
0x96: {  	v32 =	vor.u32 v32, v26;
	v33 =	vor.u32 v33, v27;
	v54 =	vor.u32 v20, v31;
	v51 =	vld.idx.msk [tilespmem:v51+s15+$0x0], $0xffff  }
0x97: {  	v14 =	vor.u32 v5, v20;
	v55 =	vor.u32 v20, v32;
	v56 =	vor.u32 v20, v33;
	v48 =	vld.idx.msk [tilespmem:v48+s15+$0x0], $0xffff  }
0x98: {  	v22 =	vor.u32 v23, v42;
	v42 =	vor.u32 v25, v43;
	v43 =	vor.u32 v26, v44;
	v44 =	vld.idx.msk [tilespmem:v46+s15+$0x0], $0xffff  }
0x99: {  	v13 =	vor.u32 v6, v20;
	v11 =	vor.u32 v3, v12;
	v41 =	vor.u32 v49, v41;
	v24 =	vld.idx.msk [tilespmem:v24+s15+$0x0], $0xffff  }
0x9a: {  	v40 =	vor.u32 v34, v21;
	v47 =	vor.u32 v34, v17;
	v35 =	vor.u32 v49, v35;
	v49 =	vld.idx.msk [tilespmem:v53+s15+$0x0], $0xffff  }
0x9b: {  	v34 =	vor.u32 v34, v28;
	v36 =	vor.u32 v23, v36;
	v53 =	vor.u32 v25, v37;
	v25 =	vld.idx.msk [tilespmem:v54+s15+$0x0], $0xffff  }
0x9c: {  	v57 =	vor.u32 v20, v34;
	v45 =	vor.u32 v27, v45;
	v60 =	vor.u32 v27, v39;
	v27 =	vld.idx.msk [tilespmem:v55+s15+$0x0], $0xffff  }
0x9d: {  	v58 =	vor.u32 v14, v52;
	v47 =	vor.u32 v28, v47;
	v54 =	vor.u32 v28, v40;
	v28 =	vld.idx.msk [tilespmem:v56+s15+$0x0], $0xffff  }
0x9e: {  	s28 =	simm.s32 $0xA;
	v59 =	vor.u32 v26, v38;
	v61 =	vor.u32 v12, v30;
	v55 =	vor.u32 v12, v32;
	v32 =	vld.idx.msk [tilespmem:v41+s15+$0x0], $0xffff  }
0x9f: {  	s30 =	simm.s32 $0xB;
	v39 =	vadd.s32 s28, v0;
	v46 =	vor.u32 v15, v52;
	v56 =	vor.u32 v12, v33;
	v35 =	vld.idx.msk [tilespmem:v35+s15+$0x0], $0xffff  }
0xa0: {  	v41 =	vadd.s32 s30, v0;
	v36 =	vld.idx.msk [tilespmem:v36+s15+$0x0], $0xffff;
	v23 =	vmul.f32 v51, v18;
	v26 =	vmul.f32 v48, v19  }
0xa1: {  	v51 =	vor.u32 v12, v29;
	v29 =	vld.idx.msk [tilespmem:v57+s15+$0x0], $0xffff;
	v30 =	vmul.f32 v24, v18;
	v33 =	vmul.f32 v49, v18  }
0xa2: {  	v48 =	vor.u32 v13, v52;
	v37 =	vmul.f32 v25, v18;
	v25 =	vld.idx.msk [tilespmem:v42+s15+$0x0], $0xffff;
	v42 =	vmul.f32 v27, v18  }
0xa3: {  	v24 =	vor.u32 v12, v34;
	v57 =	vmul.f32 v28, v18;
	v28 =	vmul.f32 v32, v19  }
0xa4: {  	v34 =	vld.idx.msk [tilespmem:v22+s15+$0x0], $0xffff;
	v27 =	vand.u32 $0x7, v41;
	v41 =	vand.u32 $0x8, v41;
	v35 =	vmul.f32 v35, v16  }
0xa5: {  	s25 =	simm.s32 $0x8;
	v36 =	vmul.f32 v36, v16;
	v23 =	vadd.f32 v26, v23;
	v26 =	vmul.f32 v44, v16  }
0xa6: {  	v44 =	vor.u32 v12, v50;
	v50 =	vor.u32 v12, v31;
	v31 =	vadd.s32 s25, v0  }
0xa7: {  	s28 =	simm.s32 $0xC;
	v43 =	vld.idx.msk [tilespmem:v43+s15+$0x0], $0xffff;
	v22 =	vand.u32 $0x8, v31;
	v2 =	vmul.f32 v29, v18;
	v29 =	vand.u32 $0x7, v39  }
0xa8: {  	v45 =	vld.idx.msk [tilespmem:v45+s15+$0x0], $0xffff;
	v26 =	vadd.f32 v26, v23;
	v23 =	vor.u32 v11, v52;
	v52 =	vadd.s32 s28, v0;
	s28 =	simm.s32 $0xE  }
0xa9: {  	s29 =	simm.s32 $0x9;
	v63 =	vadd.s32 s28, v0;
	v38 =	vmul.f32 v34, v19;
	v40 =	vmul.f32 v25, v19  }
0xaa: {  	v34 =	vld.idx.msk [tilespmem:v47+s15+$0x0], $0xffff;
	v47 =	vadd.f32 v28, v30;
	v49 =	vmax.f32 v26, $0.0e+00;
	v26 =	vadd.s32 s29, v0  }
0xab: {  	v32 =	vld.idx.msk [tilespmem:v58+s15+$0x0], $0xffff;
	v28 =	vand.u32 $0x7, v52;
	v25 =	vand.u32 $0x7, v62;
	v31 =	vand.u32 $0x7, v26  }
0xac: {  	v30 =	vld.idx.msk [tilespmem:v46+s15+$0x0], $0xffff;
	v46 =	vadd.f32 v38, v33;
	v38 =	vand.u32 $0x8, v26;
	v58 =	vadd.f32 v40, v37  }
0xad: {  	v26 =	vand.u32 $0x7, v63;
	v33 =	vmul.f32 v43, v19;
	v43 =	vmul.f32 v45, v19;
	v45 =	vld.idx.msk [tilespmem:v53+s15+$0x0], $0xffff  }
0xae: {  	v40 =	vand.u32 $0x8, v39;
	v37 =	vand.u32 $0x8, v52;
	v53 =	vld.idx.msk [tilespmem:v59+s15+$0x0], $0xffff;
	v47 =	vadd.f32 v35, v47  }
0xaf: {  	v39 =	vand.u32 $0x8, v62;
	v35 =	vor.u32 v25, v21;
	[tilespmem:v44+s16+$0x0] =	vst.idx.add.f32.msk vm0, v49;
	v44 =	vor.u32 v31, v17  }
0xb0: {  	v62 =	vld.idx.msk [tilespmem:v60+s15+$0x0], $0xffff;
	v52 =	vadd.f32 v33, v42;
	v42 =	vand.u32 $0x8, v63;
	v43 =	vadd.f32 v43, v57  }
0xb1: {  	v54 =	vld.idx.msk [tilespmem:v54+s15+$0x0], $0xffff;
	v63 =	vmul.f32 v32, v19;
	v32 =	vor.u32 v27, v21;
	v46 =	vadd.f32 v36, v46  }
0xb2: {  	v48 =	vld.idx.msk [tilespmem:v48+s15+$0x0], $0xffff;
	v36 =	vor.u32 v26, v21;
	v49 =	vmax.f32 v47, $0.0e+00;
	v33 =	vmul.f32 v34, v19  }
0xb3: {  	v47 =	vor.u32 v27, v17;
	v34 =	vmul.f32 v30, v18;
	v45 =	vmul.f32 v45, v16  }
0xb4: {  	v30 =	vor.u32 v31, v21;
	[tilespmem:v51+s16+$0x0] =	vst.idx.add.f32.msk vm0, v49;
	v60 =	vmax.f32 v46, $0.0e+00;
	v53 =	vmul.f32 v53, v16  }
0xb5: {  	v2 =	vadd.f32 v33, v2;
	v45 =	vadd.f32 v45, v58;
	v58 =	vmul.f32 v62, v16  }
0xb6: {  	v59 =	vadd.f32 v63, v34;
	v63 =	vmul.f32 v54, v16;
	v62 =	vadd.f32 v53, v52  }
0xb7: {  	v48 =	vmul.f32 v48, v16;
	[tilespmem:v61+s16+$0x0] =	vst.idx.add.f32.msk vm0, v60;
	v45 =	vmax.f32 v45, $0.0e+00;
	v43 =	vadd.f32 v58, v43  }
0xb8: {  	v33 =	vor.u32 v29, v21;
	v2 =	vadd.f32 v63, v2;
	v46 =	vmax.f32 v62, $0.0e+00;
	[tilespmem:v50+s16+$0x0] =	vst.idx.add.f32.msk vm0, v45  }
0xb9: {  	v34 =	vor.u32 v28, v21;
	v48 =	vadd.f32 v48, v59;
	[tilespmem:v55+s16+$0x0] =	vst.idx.add.f32.msk vm0, v46;
	v43 =	vmax.f32 v43, $0.0e+00  }
0xba: {  	s26 =	simm.s32 $0x10;
	s28 =	simm.s32 $0xF;
	v45 =	vor.u32 v29, v17;
	v46 =	vor.u32 v28, v17;
	[tilespmem:v56+s16+$0x0] =	vst.idx.add.f32.msk vm0, v43;
	v43 =	vmax.f32 v2, $0.0e+00  }
.LBB2_9:
0xbb: {  	p1 =	slt.u32 s26, $0x38;
	v2 =	vor.u32 v25, v17;
	v49 =	vadd.s32 s28, v0;
	v48 =	vmax.f32 v48, $0.0e+00;
	[tilespmem:v24+s16+$0x0] =	vst.idx.add.f32.msk vm0, v43  }
0xbc: {  	s28 =	sand.u32 $0x30, s25;
	v24 =	vor.u32 v26, v17;
	s25 =	smov.u32 s26;
	v43 =	vand.u32 $0x8, v49;
	v49 =	vand.u32 $0x7, v49;
	[tilespmem:v23+s16+$0x0] =	vst.idx.add.f32.msk vm0, v48  }
0xbd: {  	v23 =	vor.u32 s28, v38;
	v38 =	vor.u32 s28, v43;
	v43 =	vor.u32 v49, v17  }
0xbe: {  	v40 =	vor.u32 s28, v40;
	v48 =	vor.u32 v49, v38;
	v43 =	vor.u32 v38, v43  }
0xbf: {  	v41 =	vor.u32 s28, v41;
	v37 =	vor.u32 s28, v37;
	v50 =	vor.u32 v20, v48  }
0xc0: {  	v39 =	vor.u32 s28, v39;
	v42 =	vor.u32 s28, v42;
	v49 =	vor.u32 v49, v21  }
0xc1: {  	v31 =	vor.u32 v31, v23;
	v29 =	vor.u32 v29, v40;
	v38 =	vor.u32 v38, v49  }
0xc2: {  	v27 =	vor.u32 v27, v41;
	v28 =	vor.u32 v28, v37;
	v25 =	vor.u32 v25, v39  }
0xc3: {  	v22 =	vor.u32 s28, v22;
	v26 =	vor.u32 v26, v42;
	v49 =	vor.u32 v20, v31;
	v43 =	vld.idx.msk [tilespmem:v43+s15+$0x0], $0xffff  }
0xc4: {  	v51 =	vor.u32 v20, v29;
	v52 =	vor.u32 v20, v27;
	v53 =	vor.u32 v20, v28;
	v50 =	vld.idx.msk [tilespmem:v50+s15+$0x0], $0xffff  }
0xc5: {  	v44 =	vor.u32 v23, v44;
	v54 =	vor.u32 v20, v25;
	v55 =	vor.u32 v20, v26  }
0xc6: {  	v45 =	vor.u32 v40, v45;
	v47 =	vor.u32 v41, v47;
	v46 =	vor.u32 v37, v46;
	v38 =	vld.idx.msk [tilespmem:v38+s15+$0x0], $0xffff  }
0xc7: {  	v56 =	vor.u32 v15, v22;
	v2 =	vor.u32 v39, v2;
	v57 =	vor.u32 v42, v24  }
0xc8: {  	v58 =	vor.u32 v14, v22;
	v30 =	vor.u32 v23, v30;
	v33 =	vor.u32 v40, v33;
	v24 =	vld.idx.msk [tilespmem:v49+s15+$0x0], $0xffff  }
0xc9: {  	v32 =	vor.u32 v41, v32;
	v34 =	vor.u32 v37, v34;
	v35 =	vor.u32 v39, v35;
	v40 =	vld.idx.msk [tilespmem:v51+s15+$0x0], $0xffff  }
0xca: {  	v36 =	vor.u32 v42, v36;
	v39 =	vmul.f32 v43, v19;
	v23 =	vmul.f32 v50, v18;
	v37 =	vld.idx.msk [tilespmem:v52+s15+$0x0], $0xffff  }
0xcb: {  	v49 =	vor.u32 v13, v22;
	v50 =	vor.u32 v12, v31;
	v51 =	vor.u32 v12, v29;
	v29 =	vld.idx.msk [tilespmem:v53+s15+$0x0], $0xffff  }
0xcc: {  	v23 =	vadd.f32 v39, v23;
	v38 =	vmul.f32 v38, v16;
	v39 =	vor.u32 v12, v48;
	v31 =	vld.idx.msk [tilespmem:v54+s15+$0x0], $0xffff  }
0xcd: {  	v43 =	vor.u32 v12, v25;
	v52 =	vor.u32 v12, v28;
	v48 =	vor.u32 v12, v27;
	v25 =	vld.idx.msk [tilespmem:v55+s15+$0x0], $0xffff  }
0xce: {  	v41 =	vmul.f32 v24, v18;
	v24 =	vor.u32 v12, v26;
	v26 =	vadd.f32 v38, v23;
	v27 =	vld.idx.msk [tilespmem:v44+s15+$0x0], $0xffff  }
0xcf: {  	v28 =	vadd.s32 s26, v0;
	v23 =	vor.u32 v11, v22;
	v40 =	vmul.f32 v40, v18;
	v38 =	vld.idx.msk [tilespmem:v45+s15+$0x0], $0xffff  }
0xd0: {  	s29 =	sadd.s32 $0x2, s26;
	s28 =	sadd.s32 $0x1, s26;
	v22 =	vand.u32 $0x8, v28;
	v37 =	vmul.f32 v37, v18;
	v26 =	vmax.f32 v26, $0.0e+00;
	v42 =	vld.idx.msk [tilespmem:v47+s15+$0x0], $0xffff  }
0xd1: {  	v44 =	vadd.s32 s28, v0;
	s28 =	sadd.s32 $0x3, s26;
	v45 =	vadd.s32 s29, v0;
	s29 =	sadd.s32 $0x4, s26;
	v47 =	vmul.f32 v29, v18;
	[tilespmem:v39+s16+$0x0] =	vst.idx.add.f32.msk vm0, v26  }
0xd2: {  	v53 =	vadd.s32 s29, v0;
	s29 =	sadd.s32 $0x6, s26;
	v39 =	vadd.s32 s28, v0;
	s28 =	sadd.s32 $0x5, s26;
	v54 =	vmul.f32 v31, v18;
	v46 =	vld.idx.msk [tilespmem:v46+s15+$0x0], $0xffff  }
0xd3: {  	v59 =	vadd.s32 s29, v0;
	v55 =	vadd.s32 s28, v0;
	v60 =	vmul.f32 v25, v18;
	v2 =	vld.idx.msk [tilespmem:v2+s15+$0x0], $0xffff  }
0xd4: {  	v29 =	vand.u32 $0x7, v45;
	v31 =	vand.u32 $0x7, v44;
	v26 =	vmul.f32 v27, v19;
	v57 =	vld.idx.msk [tilespmem:v57+s15+$0x0], $0xffff  }
0xd5: {  	v28 =	vand.u32 $0x7, v53;
	v27 =	vand.u32 $0x7, v39;
	v61 =	vmul.f32 v38, v19;
	v56 =	vld.idx.msk [tilespmem:v56+s15+$0x0], $0xffff  }
0xd6: {  	v25 =	vand.u32 $0x7, v55;
	v62 =	vadd.f32 v26, v41;
	v41 =	vmul.f32 v42, v19;
	v58 =	vld.idx.msk [tilespmem:v58+s15+$0x0], $0xffff  }
0xd7: {  	v38 =	vand.u32 $0x8, v44;
	v26 =	vand.u32 $0x7, v59;
	v61 =	vadd.f32 v61, v40;
	v44 =	vld.idx.msk [tilespmem:v30+s15+$0x0], $0xffff  }
0xd8: {  	v40 =	vand.u32 $0x8, v45;
	v63 =	vadd.f32 v41, v37;
	v30 =	vmul.f32 v46, v19;
	v45 =	vld.idx.msk [tilespmem:v33+s15+$0x0], $0xffff  }
0xd9: {  	v41 =	vand.u32 $0x8, v39;
	v37 =	vand.u32 $0x8, v53;
	v2 =	vmul.f32 v2, v19;
	v46 =	vld.idx.msk [tilespmem:v32+s15+$0x0], $0xffff  }
0xda: {  	v39 =	vand.u32 $0x8, v55;
	v47 =	vadd.f32 v30, v47;
	v32 =	vmul.f32 v57, v19;
	v53 =	vld.idx.msk [tilespmem:v34+s15+$0x0], $0xffff  }
0xdb: {  	v42 =	vand.u32 $0x8, v59;
	v55 =	vmul.f32 v56, v18;
	v2 =	vadd.f32 v2, v54;
	v54 =	vld.idx.msk [tilespmem:v35+s15+$0x0], $0xffff  }
0xdc: {  	v30 =	vor.u32 v31, v21;
	v35 =	vmul.f32 v58, v19;
	v56 =	vadd.f32 v32, v60;
	v57 =	vld.idx.msk [tilespmem:v36+s15+$0x0], $0xffff  }
0xdd: {  	v33 =	vor.u32 v29, v21;
	v32 =	vor.u32 v27, v21;
	v36 =	vmul.f32 v44, v16;
	v49 =	vld.idx.msk [tilespmem:v49+s15+$0x0], $0xffff  }
0xde: {  	v34 =	vor.u32 v28, v21;
	v55 =	vadd.f32 v35, v55;
	v44 =	vmul.f32 v45, v16  }
0xdf: {  	v35 =	vor.u32 v25, v21;
	v45 =	vadd.f32 v36, v62;
	v46 =	vmul.f32 v46, v16  }
0xe0: {  	v36 =	vor.u32 v26, v21;
	v44 =	vadd.f32 v44, v61;
	v53 =	vmul.f32 v53, v16  }
0xe1: {  	v45 =	vmax.f32 v45, $0.0e+00;
	v46 =	vadd.f32 v46, v63;
	v54 =	vmul.f32 v54, v16  }
.Ltmp6:
0xe2: {  	v44 =	vmax.f32 v44, $0.0e+00;
	[tilespmem:v50+s16+$0x0] =	vst.idx.add.f32.msk vm0, v45;
	v45 =	vadd.f32 v53, v47;
	v47 =	vmul.f32 v57, v16;
	(pc) =	sbr.rel @p1 .LBB2_9-.Ltmp6, $4  }
0xe3: {  	v49 =	vmul.f32 v49, v16;
	v46 =	vmax.f32 v46, $0.0e+00;
	v2 =	vadd.f32 v54, v2;
	[tilespmem:v51+s16+$0x0] =	vst.idx.add.f32.msk vm0, v44  }
0xe4: {  	v44 =	vor.u32 v31, v17;
	[tilespmem:v48+s16+$0x0] =	vst.idx.add.f32.msk vm0, v46;
	v46 =	vmax.f32 v45, $0.0e+00;
	v50 =	vadd.f32 v47, v56  }
0xe5: {  	v45 =	vor.u32 v29, v17;
	v48 =	vadd.f32 v49, v55;
	v2 =	vmax.f32 v2, $0.0e+00;
	[tilespmem:v52+s16+$0x0] =	vst.idx.add.f32.msk vm0, v46  }
0xe6: {  	s26 =	sadd.s32 $0x8, s26;
	s28 =	sadd.s32 $0x7, s25;
	v47 =	vor.u32 v27, v17;
	v46 =	vor.u32 v28, v17;
	[tilespmem:v43+s16+$0x0] =	vst.idx.add.f32.msk vm0, v2;
	v43 =	vmax.f32 v50, $0.0e+00  }
0xe7: {  	_ =	sdelay $0x1  }
0xe8: {  	v2 =	vadd.s32 s28, v0  }
0xe9: {  	s25 =	sand.u32 $0x30, s25;
	v48 =	vmax.f32 v48, $0.0e+00;
	v63 =	vor.u32 v25, v17;
	v56 =	vor.u32 v26, v17  }
0xea: {  	v49 =	vand.u32 $0x8, v2;
	v2 =	vand.u32 $0x7, v2;
	v39 =	vor.u32 s25, v39  }
0xeb: {  	[tilespmem:v23+s16+$0x0] =	vst.idx.add.f32.msk vm0, v48;
	v42 =	vor.u32 s25, v42;
	v48 =	vor.u32 v25, v39;
	v25 =	vor.u32 v39, v63  }
0xec: {  	v22 =	vor.u32 s25, v22;
	v50 =	vor.u32 v2, v17;
	v17 =	vor.u32 v42, v56  }
0xed: {  	v15 =	vor.u32 v15, v22  }
0xee: {  	v38 =	vor.u32 s25, v38;
	v14 =	vor.u32 v14, v22  }
0xef: {  	[tilespmem:v24+s16+$0x0] =	vst.idx.add.f32.msk vm0, v43;
	v24 =	vor.u32 s25, v41;
	v23 =	vor.u32 s25, v37;
	v30 =	vor.u32 v38, v30  }
0xf0: {  	v27 =	vor.u32 v27, v24;
	v47 =	vor.u32 v24, v47;
	v24 =	vor.u32 v24, v32;
	v25 =	vld.idx.msk [tilespmem:v25+s15+$0x0], $0xffff  }
0xf1: {  	v28 =	vor.u32 v28, v23;
	v46 =	vor.u32 v23, v46;
	v23 =	vor.u32 v23, v34;
	v17 =	vld.idx.msk [tilespmem:v17+s15+$0x0], $0xffff  }
0xf2: {  	v35 =	vor.u32 v39, v35;
	v15 =	vld.idx.msk [tilespmem:v15+s15+$0x0], $0xffff  }
0xf3: {  	v49 =	vor.u32 s25, v49;
	v13 =	vor.u32 v13, v22;
	v14 =	vld.idx.msk [tilespmem:v14+s15+$0x0], $0xffff  }
0xf4: {  	v31 =	vor.u32 v31, v38;
	v50 =	vor.u32 v49, v50;
	v30 =	vld.idx.msk [tilespmem:v30+s15+$0x0], $0xffff  }
0xf5: {  	v57 =	vor.u32 v20, v31;
	v24 =	vld.idx.msk [tilespmem:v24+s15+$0x0], $0xffff  }
0xf6: {  	v59 =	vor.u32 v20, v27;
	v23 =	vld.idx.msk [tilespmem:v23+s15+$0x0], $0xffff  }
0xf7: {  	v60 =	vor.u32 v20, v28;
	v35 =	vld.idx.msk [tilespmem:v35+s15+$0x0], $0xffff  }
0xf8: {  	v53 =	vor.u32 v20, v48;
	v13 =	vld.idx.msk [tilespmem:v13+s15+$0x0], $0xffff  }
0xf9: {  	v44 =	vor.u32 v38, v44;
	v51 =	vor.u32 v2, v49;
	v41 =	vld.idx.msk [tilespmem:v50+s15+$0x0], $0xffff  }
0xfa: {  	v2 =	vor.u32 v2, v21;
	v21 =	vor.u32 s25, v40;
	v52 =	vor.u32 v20, v51;
	v40 =	vld.idx.msk [tilespmem:v57+s15+$0x0], $0xffff  }
0xfb: {  	v2 =	vor.u32 v49, v2;
	v43 =	vld.idx.msk [tilespmem:v59+s15+$0x0], $0xffff  }
0xfc: {  	v29 =	vor.u32 v29, v21;
	v45 =	vor.u32 v21, v45;
	v21 =	vor.u32 v21, v33;
	v49 =	vld.idx.msk [tilespmem:v60+s15+$0x0], $0xffff  }
0xfd: {  	v58 =	vor.u32 v20, v29;
	v53 =	vld.idx.msk [tilespmem:v53+s15+$0x0], $0xffff  }
0xfe: {  	v36 =	vor.u32 v42, v36;
	v11 =	vor.u32 v11, v22;
	v57 =	vld.idx.msk [tilespmem:v44+s15+$0x0], $0xffff  }
0xff: {  	v31 =	vor.u32 v12, v31;
	v61 =	vld.idx.msk [tilespmem:v52+s15+$0x0], $0xffff;
	v52 =	vor.u32 v26, v42;
	v25 =	vmul.f32 v25, v19  }
0x100: {  	v2 =	vld.idx.msk [tilespmem:v2+s15+$0x0], $0xffff;
	v62 =	vor.u32 v20, v52;
	v17 =	vmul.f32 v17, v19;
	v15 =	vmul.f32 v15, v18  }
0x101: {  	v27 =	vor.u32 v12, v27;
	v21 =	vld.idx.msk [tilespmem:v21+s15+$0x0], $0xffff;
	v30 =	vmul.f32 v30, v16;
	v14 =	vmul.f32 v14, v19  }
0x102: {  	v28 =	vor.u32 v12, v28;
	v37 =	vld.idx.msk [tilespmem:v58+s15+$0x0], $0xffff;
	v56 =	vmul.f32 v24, v16;
	v13 =	vmul.f32 v13, v16  }
0x103: {  	v63 =	vor.u32 v12, v51;
	v58 =	vld.idx.msk [tilespmem:v45+s15+$0x0], $0xffff;
	v60 =	vmul.f32 v41, v19;
	v40 =	vmul.f32 v40, v18  }
0x104: {  	v41 =	vor.u32 v12, v48;
	v48 =	vmul.f32 v53, v18;
	v59 =	vmul.f32 v61, v18;
	v61 =	vld.idx.msk [tilespmem:v47+s15+$0x0], $0xffff  }
0x105: {  	v29 =	vor.u32 v12, v29;
	v2 =	vmul.f32 v2, v16;
	v47 =	vmul.f32 v49, v18;
	v20 =	vld.idx.msk [tilespmem:v62+s15+$0x0], $0xffff  }
0x106: {  	v45 =	vor.u32 v12, v52;
	v49 =	vmul.f32 v57, v19;
	v54 =	vmul.f32 v21, v16;
	v62 =	vld.idx.msk [tilespmem:v46+s15+$0x0], $0xffff  }
0x107: {  	v14 =	vadd.f32 v14, v15;
	v37 =	vmul.f32 v37, v18;
	v46 =	vmul.f32 v43, v18  }
0x108: {  	v50 =	vmul.f32 v58, v19;
	v25 =	vadd.f32 v25, v48;
	v58 =	vmul.f32 v23, v16  }
0x109: {  	v53 =	vld.idx.msk [tilespmem:v36+s15+$0x0], $0xffff;
	v33 =	vadd.f32 v60, v59;
	v22 =	vadd.f32 v49, v40;
	v60 =	vmul.f32 v35, v16  }
0x10a: {  	v13 =	vadd.f32 v13, v14;
	v26 =	vadd.f32 v50, v37;
	v51 =	vmul.f32 v61, v19  }
0x10b: {  	v2 =	vadd.f32 v2, v33;
	v55 =	vadd.f32 v30, v22;
	v52 =	vmul.f32 v62, v19  }
0x10c: {  	v13 =	vmax.f32 v13, $0.0e+00;
	v57 =	vadd.f32 v54, v26;
	v32 =	vadd.f32 v51, v46  }
0x10d: {  	[tilespmem:v11+s16+$0x0] =	vst.idx.add.f32.msk vm0, v13;
	v2 =	vmax.f32 v2, $0.0e+00;
	v20 =	vmul.f32 v20, v18;
	v33 =	vadd.f32 v52, v47  }
0x10e: {  	s24 =	sadd.s32 $0x1, s24;
	v18 =	vmul.f32 v53, v16;
	[tilespmem:v63+s16+$0x0] =	vst.idx.add.f32.msk vm0, v2;
	v2 =	vmax.f32 v55, $0.0e+00;
	v59 =	vadd.f32 v56, v32  }
0x10f: {  	p1 =	seq.s32 s24, $0x8;
	v17 =	vadd.f32 v17, v20;
	[tilespmem:v31+s16+$0x0] =	vst.idx.add.f32.msk vm0, v2;
	v2 =	vmax.f32 v57, $0.0e+00;
	v61 =	vadd.f32 v58, v33  }
.Ltmp7:
0x110: {  	v62 =	vadd.f32 v60, v25;
	[tilespmem:v29+s16+$0x0] =	vst.idx.add.f32.msk vm0, v2;
	v2 =	vmax.f32 v59, $0.0e+00;
	(pc) =	sbr.rel @!p1 .LBB2_8-.Ltmp7, $4  }
0x111: {  	v63 =	vadd.f32 v18, v17;
	[tilespmem:v27+s16+$0x0] =	vst.idx.add.f32.msk vm0, v2;
	v2 =	vmax.f32 v61, $0.0e+00  }
0x112: {  	[tilespmem:v28+s16+$0x0] =	vst.idx.add.f32.msk vm0, v2;
	v2 =	vmax.f32 v62, $0.0e+00  }
0x113: {  	[tilespmem:v41+s16+$0x0] =	vst.idx.add.f32.msk vm0, v2;
	v2 =	vmax.f32 v63, $0.0e+00  }
0x114: {  	[tilespmem:v45+s16+$0x0] =	vst.idx.add.f32.msk vm0, v2  }
0x115: {  	p1 =	seq.s32 s21, s20  }
.Ltmp8:
0x116: {  	_ = 	snop;
	(pc) =	sbr.rel @!p1 .LBB2_7-.Ltmp8, $4  }
.Ltmp9:
0x117: {  	_ = 	snop;
	(pc) =	sbr.rel @p1 .LBB2_11-.Ltmp9, $4  }
0x118: {  	_ = 	snop  }
0x119: {  	_ = 	snop  }
0x11a: {  	_ = 	snop  }
0x11b: {  	_ = 	snop  }
.LBB2_13:
0x11c: {  	_ =	sfence.sel $0x180000  }
0x11d: {  	[bflag:$0x0] =	sbarrier.arrive $0xFFFF  }
0x11e: {  	p0 =	sne.s32 s3, $0x0;
	_ =	strace $0x90000047  }
0x11f: {  	s0 =	sadd.s32 @!p0 $0x100000, s0;
	[bflag:$0x2] =	sbarrier.arrive $0xFFFF  }
0x120: {  	[sflag:s0] =	ssyncadd.tile.s32 @!p0 $0x1;
	_ =	shalt  }
.Lfunc_end2:
_tile_overlayer_lowered:
.L_overlay_start_2:
0x121: {  	(tag) =	ssettag $0x2  }
0x122: {  	s0 =	rddreg [dreg:$0x0];
	s2 =	stileid.u32  }
0x123: {  	s1 =	rddreg [dreg:$0x1];
	p0 =	sne.s32 s2, $0x0  }
0x124: {  	s3 =	rddreg [dreg:$0x2];
	[bflag:$0x3] =	sbarrier.arrive $0xFFFF;
	s2 =	simm.s32 @!p0 $0x1C02  }
0x125: {  	[timem:s3], [sflag:s2] =	dma.local @!p0 [hbm:s0], s1  }
0x126: {  	s0 =	simm.s32 @!p0 $0x2  }
0x127: {  	_ =	swait.ge @!p0 [sflag:s0], s1  }
0x128: {  	s1 =	ssub.s32 @!p0 $0x0, s1;
	[sflag:s0] =	ssyncset.done @!p0 $0x0  }
0x129: {  	[sflag:s0] =	ssyncadd.s32 @!p0 s1  }
0x12a: {  	[bflag:$0x3] =	sbarrier.arrive $0xFFFF  }
0x12b: {  	_ =	shalt  }

</sc_bundles>
